<compile_context>
chip_gen: v7x
topology: tpu7x:2x2x1
jax: 0.10.2.dev20260603
libtpu: 0.0.44.dev20260713+nightly
codegen_flags: <defaults>
</compile_context>

<pallas_src>
import functools

import jax
import jax.numpy as jnp
from jax import lax
from jax.experimental import pallas as pl
from jax.experimental.pallas import tpu as pltpu
from jax.experimental.pallas import tpu_sc as plsc

N_GENES = 100000
DIM_GENE = 64
DIM_MODEL = 128
EPS = 1e-5

_ROW_BLK = 12800
_N_PAD = 102400


def _transform_body(tT_ref, w_ref, b_ref, g_ref, bb_ref, o_ref):
    e_t = tT_ref[...]
    h = lax.dot_general(e_t, w_ref[...], (((0,), (0,)), ((), ())),
                        preferred_element_type=jnp.float32) + b_ref[...]
    ones_over = jnp.full((DIM_MODEL, DIM_MODEL), 1.0 / DIM_MODEL, jnp.float32)
    m = lax.dot_general(h, ones_over, (((1,), (0,)), ((), ())),
                        preferred_element_type=jnp.float32)
    m2 = lax.dot_general(h * h, ones_over, (((1,), (0,)), ((), ())),
                         preferred_element_type=jnp.float32)
    var = m2 - m * m
    o_ref[...] = (h - m) * lax.rsqrt(var + EPS) * g_ref[...] + bb_ref[...]


def _transform_table(table, W2, b2, gamma, beta):
    tT = table.T
    return pl.pallas_call(
        _transform_body,
        grid=(_N_PAD // _ROW_BLK,),
        in_specs=[
            pl.BlockSpec((DIM_GENE, _ROW_BLK), lambda i: (0, i)),
            pl.BlockSpec((DIM_GENE, DIM_MODEL), lambda i: (0, 0)),
            pl.BlockSpec((1, DIM_MODEL), lambda i: (0, 0)),
            pl.BlockSpec((1, DIM_MODEL), lambda i: (0, 0)),
            pl.BlockSpec((1, DIM_MODEL), lambda i: (0, 0)),
        ],
        out_specs=pl.BlockSpec((_ROW_BLK, DIM_MODEL), lambda i: (i, 0)),
        out_shape=jax.ShapeDtypeStruct((_N_PAD, DIM_MODEL), jnp.float32),
    )(tT, W2, b2.reshape(1, DIM_MODEL), gamma.reshape(1, DIM_MODEL),
      beta.reshape(1, DIM_MODEL))


def _sc_gather(tbl, idx2d, n_rows):
    info = plsc.get_sparse_core_info()
    nw = info.num_cores * info.num_subcores
    rows_per_w = n_rows // nw
    n_ir = rows_per_w // 128
    ch = 256
    n_ch = rows_per_w // ch
    nbuf = 3
    lag = 1
    n_grp = (n_ch + nbuf - 1) // nbuf + 1
    mesh = plsc.VectorSubcoreMesh(core_axis_name="c", subcore_axis_name="s")

    @functools.partial(
        pl.kernel, mesh=mesh,
        out_type=jax.ShapeDtypeStruct((n_rows, DIM_MODEL), jnp.float32),
        scratch_types=[
            pltpu.VMEM((n_ir, 128), jnp.int32),
            pltpu.VMEM((nbuf, ch, DIM_MODEL), jnp.float32),
        ] + [pltpu.SemaphoreType.DMA] * (2 * nbuf),
    )
    def k(tbl_hbm, idx_hbm, out_hbm, idx_v, rows_v, *sems):
        sem_g = sems[:nbuf]
        sem_s = sems[nbuf:]
        wid = lax.axis_index("s") * info.num_cores + lax.axis_index("c")
        out0 = wid * rows_per_w

        pltpu.sync_copy(idx_hbm.at[pl.ds(wid * n_ir, n_ir), :], idx_v)

        def gather_descs(c, b):
            return [
                pltpu.make_async_copy(
                    tbl_hbm.at[idx_v.at[2 * c + j]],
                    rows_v.at[b].at[pl.ds(j * 128, 128), :],
                    sem_g[b])
                for j in range(2)
            ]

        def scatter_desc(c, b):
            return pltpu.make_async_copy(
                rows_v.at[b],
                out_hbm.at[pl.ds(out0 + c * ch, ch), :],
                sem_s[b])

        def group(i, carry):
            for b in range(nbuf):
                c = i * nbuf + b
                bs = (b + nbuf - lag) % nbuf

                @pl.when(jnp.logical_and(c >= nbuf, c - nbuf < n_ch))
                def _():
                    scatter_desc(c - nbuf, b).wait()

                @pl.when(c < n_ch)
                def _():
                    for d in gather_descs(c, b):
                        d.start()

                @pl.when(jnp.logical_and(c >= lag, c - lag < n_ch))
                def _():
                    for d in gather_descs(c - lag, bs):
                        d.wait()
                    scatter_desc(c - lag, bs).start()
            return carry

        lax.fori_loop(0, n_grp, group, 0)

    return k(tbl, idx2d)


def kernel(x, table, W2, b2, gamma, beta):
    B, L = x.shape
    t = _transform_table(table, W2, b2, gamma, beta)
    idx2d = x.reshape(-1, 128).astype(jnp.int32)
    out = _sc_gather(t, idx2d, B * L)
    return out.reshape(B, L, DIM_MODEL)

# --- scband reference (transcript-rebuilt; emitter-appended) ---
"""Pipeline reference for scband-gene-encoder-71416716198050 (READ-ONLY COPY).

The authoritative reference and input builder live on the scoring server;
editing this copy changes nothing except your own understanding.
"""

import jax, jax.numpy as jnp
import numpy as np

N_GENES = 100000
DIM_GENE = 64
DIM_MODEL = 128
BATCH = 4096
HIST = 200
EPS = 1e-5


def setup_inputs(seed: int = 0) -> dict:
    key = jax.random.key(seed)
    k1, k2, k3, k4 = jax.random.split(key, 4)
    x = jax.random.randint(k1, (BATCH, HIST), 0, N_GENES, dtype=jnp.int64 if jax.config.read('jax_enable_x64') else jnp.int32)
    table = jax.random.normal(k2, (N_GENES, DIM_GENE), dtype=jnp.float32)
    # adapter2: Linear(dim_gene_embs, dim_model)
    bound = 1.0 / np.sqrt(DIM_GENE)
    W2 = jax.random.uniform(k3, (DIM_GENE, DIM_MODEL), minval=-bound, maxval=bound, dtype=jnp.float32)
    b2 = jax.random.uniform(k4, (DIM_MODEL,), minval=-bound, maxval=bound, dtype=jnp.float32)
    gamma = jnp.ones((DIM_MODEL,), dtype=jnp.float32)
    beta = jnp.zeros((DIM_MODEL,), dtype=jnp.float32)
    return {"x": x, "table": table, "W2": W2, "b2": b2, "gamma": gamma, "beta": beta}


def reference(x, table, W2, b2, gamma, beta):
    # x_learnable = self.embedding(x)  (no pretrained vocabulary)
    e = jnp.take(table, x, axis=0)          # [B, L, dim_gene_embs]
    # x = self.adapter2(x)
    h = jnp.dot(e, W2) + b2                 # [B, L, dim_model]
    # x = self.enc_norm(x)  (LayerNorm over last dim, eps=1e-5)
    mean = jnp.mean(h, axis=-1, keepdims=True)
    var = jnp.mean((h - mean) ** 2, axis=-1, keepdims=True)
    out = (h - mean) / jnp.sqrt(var + EPS) * gamma + beta
    return out

if __name__ == "__main__":
    import jax
    _d = setup_inputs()
    print(jax.jit(kernel)(*tuple(_d.values())))

</pallas_src>

<mosaic_0001>
#map = affine_map<(d0, d1) -> (0, 0)>
module attributes {stable_mosaic.version = 14 : i64} {
  func.func @k(%arg0: i32, %arg1: i32, %arg2: memref<102400x128xf32, #tpu.memory_space<hbm>>, %arg3: memref<6400x128xi32, #tpu.memory_space<hbm>>, %arg4: memref<819200x128xf32, #tpu.memory_space<hbm>>, %arg5: memref<200x128xi32, #tpu.memory_space<vmem>>, %arg6: memref<3x256x128xf32, #tpu.memory_space<vmem>>, %arg7: memref<!tpu.dma_semaphore, #tpu.memory_space<semaphore_mem>>, %arg8: memref<!tpu.dma_semaphore, #tpu.memory_space<semaphore_mem>>, %arg9: memref<!tpu.dma_semaphore, #tpu.memory_space<semaphore_mem>>, %arg10: memref<!tpu.dma_semaphore, #tpu.memory_space<semaphore_mem>>, %arg11: memref<!tpu.dma_semaphore, #tpu.memory_space<semaphore_mem>>, %arg12: memref<!tpu.dma_semaphore, #tpu.memory_space<semaphore_mem>>) attributes {dimension_semantics = [#tpu.dimension_semantics<core_parallel>, #tpu.dimension_semantics<subcore_parallel>], iteration_bounds = array<i64: 2, 16>, scalar_prefetch = 0 : i64, scratch_operands = 8 : i64, tpu.core_type = #tpu.core_type<sc_vector_subcore>, window_params = [{transform_indices = #map}, {transform_indices = #map}, {transform_indices = #map}]} {
    %mul3A = arith.constant 2 : i32
    %mul3A_0 = arith.muli %arg1, %mul3A : i32
    %add3A = arith.addi %mul3A_0, %arg0 : i32
    %mul3A_1 = arith.constant 25600 : i32
    %mul3A_2 = arith.muli %add3A, %mul3A_1 : i32
    %mul3A_3 = arith.constant 200 : i32
    %mul3A_4 = arith.muli %add3A, %mul3A_3 : i32
    "tpu.region"() ({
      %run_scoped3A = tpu.sem_alloc : memref<!tpu.dma_semaphore, #tpu.memory_space<semaphore_mem>>
      %dma_start3A = arith.constant 0 : i32
      %dma_start3A_10 = tpu.memref_slice %arg3[%mul3A_4, %dma_start3A] : memref<6400x128xi32, #tpu.memory_space<hbm>> -> memref<200x128xi32, #tpu.memory_space<hbm>>
      %dma_start3A_11 = arith.constant 0 : i32
      %dma_start3A_12 = tpu.memref_slice %arg3[%mul3A_4, %dma_start3A_11] : memref<6400x128xi32, #tpu.memory_space<hbm>> -> memref<200x128xi32, #tpu.memory_space<hbm>>
      tpu.enqueue_dma source(%dma_start3A_12 : memref<200x128xi32, #tpu.memory_space<hbm>>) target(%arg5 : memref<200x128xi32, #tpu.memory_space<vmem>>) target_semaphore(%run_scoped3A : memref<!tpu.dma_semaphore, #tpu.memory_space<semaphore_mem>>)
      %dma_wait3A = arith.constant 0 : i32
      %dma_wait3A_13 = tpu.memref_slice %arg3[%mul3A_4, %dma_wait3A] : memref<6400x128xi32, #tpu.memory_space<hbm>> -> memref<200x128xi32, #tpu.memory_space<hbm>>
      %dma_wait3A_14 = arith.constant 0 : i32
      %dma_wait3A_15 = tpu.memref_slice %arg3[%mul3A_4, %dma_wait3A_14] : memref<6400x128xi32, #tpu.memory_space<hbm>> -> memref<200x128xi32, #tpu.memory_space<hbm>>
      tpu.wait_dma2 semaphore(%run_scoped3A : memref<!tpu.dma_semaphore, #tpu.memory_space<semaphore_mem>>) src(%dma_wait3A_15 : memref<200x128xi32, #tpu.memory_space<hbm>>) dst(%arg5 : memref<200x128xi32, #tpu.memory_space<vmem>>)
      tpu.yield
    }) : () -> ()
    %scan3A = arith.constant 0 : i32
    %scan3A_5 = arith.constant 0 : i32
    %scan3A_6 = arith.constant 35 : i32
    %scan3A_7 = arith.addi %scan3A_5, %scan3A_6 : i32
    %scan3A_8 = arith.constant 1 : i32
    scf.for %scan3A_10 = %scan3A_5 to %scan3A_7 step %scan3A_8  : i32 {
      %mul3A_11 = arith.constant 3 : i32
      %mul3A_12 = arith.muli %scan3A_10, %mul3A_11 : i32
      %add3A_13 = arith.constant 0 : i32
      %add3A_14 = arith.addi %mul3A_12, %add3A_13 : i32
      %ge3A = arith.constant 3 : i32
      %ge3A_15 = arith.cmpi sge, %add3A_14, %ge3A : i32
      %sub3A = arith.constant 3 : i32
      %sub3A_16 = arith.subi %add3A_14, %sub3A : i32
      %lt3A = arith.constant 100 : i32
      %lt3A_17 = arith.cmpi slt, %sub3A_16, %lt3A : i32
      %and3A = arith.andi %ge3A_15, %lt3A_17 : i1
      %convert_element_type3A = arith.extui %and3A : i1 to i32
      %cond3A = arith.constant 0 : i32
      %cond3A_18 = arith.cmpi ne, %convert_element_type3A, %cond3A : i32
      scf.if %cond3A_18 {
        %sub3A_92 = arith.constant 3 : i32
        %sub3A_93 = arith.subi %add3A_14, %sub3A_92 : i32
        %mul3A_94 = arith.constant 256 : i32
        %mul3A_95 = arith.muli %sub3A_93, %mul3A_94 : i32
        %add3A_96 = arith.addi %mul3A_2, %mul3A_95 : i32
        %dma_wait3A = arith.constant 0 : i32
        %dma_wait3A_97 = arith.constant 0 : i32
        %dma_wait3A_98 = arith.constant 0 : i32
        %dma_wait3A_99 = tpu.memref_slice %arg6[%dma_wait3A, %dma_wait3A_97, %dma_wait3A_98] : memref<3x256x128xf32, #tpu.memory_space<vmem>> -> memref<1x256x128xf32, #tpu.memory_space<vmem>>
        %dma_wait3A_100 = tpu.memref_squeeze %dma_wait3A_99 : memref<1x256x128xf32, #tpu.memory_space<vmem>> -> memref<256x128xf32, #tpu.memory_space<vmem>>
        %dma_wait3A_101 = arith.constant 0 : i32
        %dma_wait3A_102 = tpu.memref_slice %arg4[%add3A_96, %dma_wait3A_101] : memref<819200x128xf32, #tpu.memory_space<hbm>> -> memref<256x128xf32, #tpu.memory_space<hbm>>
        %dma_wait3A_103 = arith.constant 0 : i32
        %dma_wait3A_104 = tpu.memref_slice %arg4[%add3A_96, %dma_wait3A_103] : memref<819200x128xf32, #tpu.memory_space<hbm>> -> memref<256x128xf32, #tpu.memory_space<hbm>>
        %dma_wait3A_105 = arith.constant 0 : i32
        %dma_wait3A_106 = arith.constant 0 : i32
        %dma_wait3A_107 = tpu.memref_slice %arg6[%dma_wait3A, %dma_wait3A_105, %dma_wait3A_106] : memref<3x256x128xf32, #tpu.memory_space<vmem>> -> memref<1x256x128xf32, #tpu.memory_space<vmem>>
        %dma_wait3A_108 = tpu.memref_squeeze %dma_wait3A_107 : memref<1x256x128xf32, #tpu.memory_space<vmem>> -> memref<256x128xf32, #tpu.memory_space<vmem>>
        tpu.wait_dma2 semaphore(%arg10 : memref<!tpu.dma_semaphore, #tpu.memory_space<semaphore_mem>>) src(%dma_wait3A_108 : memref<256x128xf32, #tpu.memory_space<vmem>>) dst(%dma_wait3A_104 : memref<256x128xf32, #tpu.memory_space<hbm>>)
      } else {
      }
      %lt3A_19 = arith.constant 100 : i32
      %lt3A_20 = arith.cmpi slt, %add3A_14, %lt3A_19 : i32
      %convert_element_type3A_21 = arith.extui %lt3A_20 : i1 to i32
      %cond3A_22 = arith.constant 0 : i32
      %cond3A_23 = arith.cmpi ne, %convert_element_type3A_21, %cond3A_22 : i32
      scf.if %cond3A_23 {
        %mul3A_92 = arith.constant 2 : i32
        %mul3A_93 = arith.muli %mul3A_92, %add3A_14 : i32
        %add3A_94 = arith.constant 0 : i32
        %add3A_95 = arith.addi %mul3A_93, %add3A_94 : i32
        %mul3A_96 = arith.constant 2 : i32
        %mul3A_97 = arith.muli %mul3A_96, %add3A_14 : i32
        %add3A_98 = arith.constant 1 : i32
        %add3A_99 = arith.addi %mul3A_97, %add3A_98 : i32
        %dma_start3A = arith.constant 0 : i32
        %dma_start3A_100 = arith.constant 0 : i32
        %dma_start3A_101 = arith.constant 0 : i32
        %dma_start3A_102 = tpu.memref_slice %arg6[%dma_start3A, %dma_start3A_100, %dma_start3A_101] : memref<3x256x128xf32, #tpu.memory_space<vmem>> -> memref<1x256x128xf32, #tpu.memory_space<vmem>>
        %dma_start3A_103 = tpu.memref_squeeze %dma_start3A_102 : memref<1x256x128xf32, #tpu.memory_space<vmem>> -> memref<256x128xf32, #tpu.memory_space<vmem>>
        %dma_start3A_104 = arith.constant 0 : i32
        %dma_start3A_105 = arith.constant 0 : i32
        %dma_start3A_106 = tpu.memref_slice %dma_start3A_103[%dma_start3A_104, %dma_start3A_105] : memref<256x128xf32, #tpu.memory_space<vmem>> -> memref<128x128xf32, #tpu.memory_space<vmem>>
        %dma_start3A_107 = arith.constant 0 : i32
        %dma_start3A_108 = tpu.memref_slice %arg5[%add3A_95, %dma_start3A_107] : memref<200x128xi32, #tpu.memory_space<vmem>> -> memref<1x128xi32, #tpu.memory_space<vmem>>
        %dma_start3A_109 = tpu.memref_squeeze %dma_start3A_108 : memref<1x128xi32, #tpu.memory_space<vmem>> -> memref<128xi32, #tpu.memory_space<vmem>>
        %dma_start3A_110 = arith.constant 0 : i32
        %dma_start3A_111 = arith.constant 0 : i32
        %dma_start3A_112 = tpu.memref_slice %arg2[%dma_start3A_110, %dma_start3A_111] : memref<102400x128xf32, #tpu.memory_space<hbm>> -> memref<102400x128xf32, #tpu.memory_space<hbm>>
        tpu.enqueue_indirect_dma source(%dma_start3A_112 : memref<102400x128xf32, #tpu.memory_space<hbm>>) target(%dma_start3A_106 : memref<128x128xf32, #tpu.memory_space<vmem>>) offsets(%dma_start3A_109 : memref<128xi32, #tpu.memory_space<vmem>>) semaphore(%arg7 : memref<!tpu.dma_semaphore, #tpu.memory_space<semaphore_mem>>)
        %dma_start3A_113 = arith.constant 0 : i32
        %dma_start3A_114 = arith.constant 0 : i32
        %dma_start3A_115 = arith.constant 0 : i32
        %dma_start3A_116 = tpu.memref_slice %arg6[%dma_start3A_113, %dma_start3A_114, %dma_start3A_115] : memref<3x256x128xf32, #tpu.memory_space<vmem>> -> memref<1x256x128xf32, #tpu.memory_space<vmem>>
        %dma_start3A_117 = tpu.memref_squeeze %dma_start3A_116 : memref<1x256x128xf32, #tpu.memory_space<vmem>> -> memref<256x128xf32, #tpu.memory_space<vmem>>
        %dma_start3A_118 = arith.constant 128 : i32
        %dma_start3A_119 = arith.constant 0 : i32
        %dma_start3A_120 = tpu.memref_slice %dma_start3A_117[%dma_start3A_118, %dma_start3A_119] : memref<256x128xf32, #tpu.memory_space<vmem>> -> memref<128x128xf32, #tpu.memory_space<vmem>>
        %dma_start3A_121 = arith.constant 0 : i32
        %dma_start3A_122 = tpu.memref_slice %arg5[%add3A_99, %dma_start3A_121] : memref<200x128xi32, #tpu.memory_space<vmem>> -> memref<1x128xi32, #tpu.memory_space<vmem>>
        %dma_start3A_123 = tpu.memref_squeeze %dma_start3A_122 : memref<1x128xi32, #tpu.memory_space<vmem>> -> memref<128xi32, #tpu.memory_space<vmem>>
        %dma_start3A_124 = arith.constant 0 : i32
        %dma_start3A_125 = arith.constant 0 : i32
        %dma_start3A_126 = tpu.memref_slice %arg2[%dma_start3A_124, %dma_start3A_125] : memref<102400x128xf32, #tpu.memory_space<hbm>> -> memref<102400x128xf32, #tpu.memory_space<hbm>>
        tpu.enqueue_indirect_dma source(%dma_start3A_126 : memref<102400x128xf32, #tpu.memory_space<hbm>>) target(%dma_start3A_120 : memref<128x128xf32, #tpu.memory_space<vmem>>) offsets(%dma_start3A_123 : memref<128xi32, #tpu.memory_space<vmem>>) semaphore(%arg7 : memref<!tpu.dma_semaphore, #tpu.memory_space<semaphore_mem>>)
      } else {
      }
      %ge3A_24 = arith.constant 1 : i32
      %ge3A_25 = arith.cmpi sge, %add3A_14, %ge3A_24 : i32
      %sub3A_26 = arith.constant 1 : i32
      %sub3A_27 = arith.subi %add3A_14, %sub3A_26 : i32
      %lt3A_28 = arith.constant 100 : i32
      %lt3A_29 = arith.cmpi slt, %sub3A_27, %lt3A_28 : i32
      %and3A_30 = arith.andi %ge3A_25, %lt3A_29 : i1
      %convert_element_type3A_31 = arith.extui %and3A_30 : i1 to i32
      %cond3A_32 = arith.constant 0 : i32
      %cond3A_33 = arith.cmpi ne, %convert_element_type3A_31, %cond3A_32 : i32
      scf.if %cond3A_33 {
        %sub3A_92 = arith.constant 1 : i32
        %sub3A_93 = arith.subi %add3A_14, %sub3A_92 : i32
        %mul3A_94 = arith.constant 2 : i32
        %mul3A_95 = arith.muli %mul3A_94, %sub3A_93 : i32
        %add3A_96 = arith.constant 0 : i32
        %add3A_97 = arith.addi %mul3A_95, %add3A_96 : i32
        %mul3A_98 = arith.constant 2 : i32
        %mul3A_99 = arith.muli %mul3A_98, %sub3A_93 : i32
        %add3A_100 = arith.constant 1 : i32
        %add3A_101 = arith.addi %mul3A_99, %add3A_100 : i32
        %dma_wait3A = arith.constant 2 : i32
        %dma_wait3A_102 = arith.constant 0 : i32
        %dma_wait3A_103 = arith.constant 0 : i32
        %dma_wait3A_104 = tpu.memref_slice %arg6[%dma_wait3A, %dma_wait3A_102, %dma_wait3A_103] : memref<3x256x128xf32, #tpu.memory_space<vmem>> -> memref<1x256x128xf32, #tpu.memory_space<vmem>>
        %dma_wait3A_105 = tpu.memref_squeeze %dma_wait3A_104 : memref<1x256x128xf32, #tpu.memory_space<vmem>> -> memref<256x128xf32, #tpu.memory_space<vmem>>
        %dma_wait3A_106 = arith.constant 0 : i32
        %dma_wait3A_107 = arith.constant 0 : i32
        %dma_wait3A_108 = tpu.memref_slice %dma_wait3A_105[%dma_wait3A_106, %dma_wait3A_107] : memref<256x128xf32, #tpu.memory_space<vmem>> -> memref<128x128xf32, #tpu.memory_space<vmem>>
        %dma_wait3A_109 = arith.constant 0 : i32
        %dma_wait3A_110 = tpu.memref_slice %arg5[%add3A_97, %dma_wait3A_109] : memref<200x128xi32, #tpu.memory_space<vmem>> -> memref<1x128xi32, #tpu.memory_space<vmem>>
        %dma_wait3A_111 = tpu.memref_squeeze %dma_wait3A_110 : memref<1x128xi32, #tpu.memory_space<vmem>> -> memref<128xi32, #tpu.memory_space<vmem>>
        %dma_wait3A_112 = arith.constant 0 : i32
        %dma_wait3A_113 = arith.constant 0 : i32
        %dma_wait3A_114 = tpu.memref_slice %arg2[%dma_wait3A_112, %dma_wait3A_113] : memref<102400x128xf32, #tpu.memory_space<hbm>> -> memref<102400x128xf32, #tpu.memory_space<hbm>>
        tpu.wait_indirect_dma semaphore(%arg9 : memref<!tpu.dma_semaphore, #tpu.memory_space<semaphore_mem>>) src(%dma_wait3A_114 : memref<102400x128xf32, #tpu.memory_space<hbm>>) dst(%dma_wait3A_108 : memref<128x128xf32, #tpu.memory_space<vmem>>)
        %dma_wait3A_115 = arith.constant 2 : i32
        %dma_wait3A_116 = arith.constant 0 : i32
        %dma_wait3A_117 = arith.constant 0 : i32
        %dma_wait3A_118 = tpu.memref_slice %arg6[%dma_wait3A_115, %dma_wait3A_116, %dma_wait3A_117] : memref<3x256x128xf32, #tpu.memory_space<vmem>> -> memref<1x256x128xf32, #tpu.memory_space<vmem>>
        %dma_wait3A_119 = tpu.memref_squeeze %dma_wait3A_118 : memref<1x256x128xf32, #tpu.memory_space<vmem>> -> memref<256x128xf32, #tpu.memory_space<vmem>>
        %dma_wait3A_120 = arith.constant 128 : i32
        %dma_wait3A_121 = arith.constant 0 : i32
        %dma_wait3A_122 = tpu.memref_slice %dma_wait3A_119[%dma_wait3A_120, %dma_wait3A_121] : memref<256x128xf32, #tpu.memory_space<vmem>> -> memref<128x128xf32, #tpu.memory_space<vmem>>
        %dma_wait3A_123 = arith.constant 0 : i32
        %dma_wait3A_124 = tpu.memref_slice %arg5[%add3A_101, %dma_wait3A_123] : memref<200x128xi32, #tpu.memory_space<vmem>> -> memref<1x128xi32, #tpu.memory_space<vmem>>
        %dma_wait3A_125 = tpu.memref_squeeze %dma_wait3A_124 : memref<1x128xi32, #tpu.memory_space<vmem>> -> memref<128xi32, #tpu.memory_space<vmem>>
        %dma_wait3A_126 = arith.constant 0 : i32
        %dma_wait3A_127 = arith.constant 0 : i32
        %dma_wait3A_128 = tpu.memref_slice %arg2[%dma_wait3A_126, %dma_wait3A_127] : memref<102400x128xf32, #tpu.memory_space<hbm>> -> memref<102400x128xf32, #tpu.memory_space<hbm>>
        tpu.wait_indirect_dma semaphore(%arg9 : memref<!tpu.dma_semaphore, #tpu.memory_space<semaphore_mem>>) src(%dma_wait3A_128 : memref<102400x128xf32, #tpu.memory_space<hbm>>) dst(%dma_wait3A_122 : memref<128x128xf32, #tpu.memory_space<vmem>>)
        %sub3A_129 = arith.constant 1 : i32
        %sub3A_130 = arith.subi %add3A_14, %sub3A_129 : i32
        %mul3A_131 = arith.constant 256 : i32
        %mul3A_132 = arith.muli %sub3A_130, %mul3A_131 : i32
        %add3A_133 = arith.addi %mul3A_2, %mul3A_132 : i32
        %dma_start3A = arith.constant 2 : i32
        %dma_start3A_134 = arith.constant 0 : i32
        %dma_start3A_135 = arith.constant 0 : i32
        %dma_start3A_136 = tpu.memref_slice %arg6[%dma_start3A, %dma_start3A_134, %dma_start3A_135] : memref<3x256x128xf32, #tpu.memory_space<vmem>> -> memref<1x256x128xf32, #tpu.memory_space<vmem>>
        %dma_start3A_137 = tpu.memref_squeeze %dma_start3A_136 : memref<1x256x128xf32, #tpu.memory_space<vmem>> -> memref<256x128xf32, #tpu.memory_space<vmem>>
        %dma_start3A_138 = arith.constant 0 : i32
        %dma_start3A_139 = tpu.memref_slice %arg4[%add3A_133, %dma_start3A_138] : memref<819200x128xf32, #tpu.memory_space<hbm>> -> memref<256x128xf32, #tpu.memory_space<hbm>>
        %dma_start3A_140 = arith.constant 0 : i32
        %dma_start3A_141 = tpu.memref_slice %arg4[%add3A_133, %dma_start3A_140] : memref<819200x128xf32, #tpu.memory_space<hbm>> -> memref<256x128xf32, #tpu.memory_space<hbm>>
        %dma_start3A_142 = arith.constant 0 : i32
        %dma_start3A_143 = arith.constant 0 : i32
        %dma_start3A_144 = tpu.memref_slice %arg6[%dma_start3A, %dma_start3A_142, %dma_start3A_143] : memref<3x256x128xf32, #tpu.memory_space<vmem>> -> memref<1x256x128xf32, #tpu.memory_space<vmem>>
        %dma_start3A_145 = tpu.memref_squeeze %dma_start3A_144 : memref<1x256x128xf32, #tpu.memory_space<vmem>> -> memref<256x128xf32, #tpu.memory_space<vmem>>
        tpu.enqueue_dma source(%dma_start3A_145 : memref<256x128xf32, #tpu.memory_space<vmem>>) target(%dma_start3A_141 : memref<256x128xf32, #tpu.memory_space<hbm>>) target_semaphore(%arg12 : memref<!tpu.dma_semaphore, #tpu.memory_space<semaphore_mem>>)
      } else {
      }
      %mul3A_34 = arith.constant 3 : i32
      %mul3A_35 = arith.muli %scan3A_10, %mul3A_34 : i32
      %add3A_36 = arith.constant 1 : i32
      %add3A_37 = arith.addi %mul3A_35, %add3A_36 : i32
      %ge3A_38 = arith.constant 3 : i32
      %ge3A_39 = arith.cmpi sge, %add3A_37, %ge3A_38 : i32
      %sub3A_40 = arith.constant 3 : i32
      %sub3A_41 = arith.subi %add3A_37, %sub3A_40 : i32
      %lt3A_42 = arith.constant 100 : i32
      %lt3A_43 = arith.cmpi slt, %sub3A_41, %lt3A_42 : i32
      %and3A_44 = arith.andi %ge3A_39, %lt3A_43 : i1
      %convert_element_type3A_45 = arith.extui %and3A_44 : i1 to i32
      %cond3A_46 = arith.constant 0 : i32
      %cond3A_47 = arith.cmpi ne, %convert_element_type3A_45, %cond3A_46 : i32
      scf.if %cond3A_47 {
        %sub3A_92 = arith.constant 3 : i32
        %sub3A_93 = arith.subi %add3A_37, %sub3A_92 : i32
        %mul3A_94 = arith.constant 256 : i32
        %mul3A_95 = arith.muli %sub3A_93, %mul3A_94 : i32
        %add3A_96 = arith.addi %mul3A_2, %mul3A_95 : i32
        %dma_wait3A = arith.constant 1 : i32
        %dma_wait3A_97 = arith.constant 0 : i32
        %dma_wait3A_98 = arith.constant 0 : i32
        %dma_wait3A_99 = tpu.memref_slice %arg6[%dma_wait3A, %dma_wait3A_97, %dma_wait3A_98] : memref<3x256x128xf32, #tpu.memory_space<vmem>> -> memref<1x256x128xf32, #tpu.memory_space<vmem>>
        %dma_wait3A_100 = tpu.memref_squeeze %dma_wait3A_99 : memref<1x256x128xf32, #tpu.memory_space<vmem>> -> memref<256x128xf32, #tpu.memory_space<vmem>>
        %dma_wait3A_101 = arith.constant 0 : i32
        %dma_wait3A_102 = tpu.memref_slice %arg4[%add3A_96, %dma_wait3A_101] : memref<819200x128xf32, #tpu.memory_space<hbm>> -> memref<256x128xf32, #tpu.memory_space<hbm>>
        %dma_wait3A_103 = arith.constant 0 : i32
        %dma_wait3A_104 = tpu.memref_slice %arg4[%add3A_96, %dma_wait3A_103] : memref<819200x128xf32, #tpu.memory_space<hbm>> -> memref<256x128xf32, #tpu.memory_space<hbm>>
        %dma_wait3A_105 = arith.constant 0 : i32
        %dma_wait3A_106 = arith.constant 0 : i32
        %dma_wait3A_107 = tpu.memref_slice %arg6[%dma_wait3A, %dma_wait3A_105, %dma_wait3A_106] : memref<3x256x128xf32, #tpu.memory_space<vmem>> -> memref<1x256x128xf32, #tpu.memory_space<vmem>>
        %dma_wait3A_108 = tpu.memref_squeeze %dma_wait3A_107 : memref<1x256x128xf32, #tpu.memory_space<vmem>> -> memref<256x128xf32, #tpu.memory_space<vmem>>
        tpu.wait_dma2 semaphore(%arg11 : memref<!tpu.dma_semaphore, #tpu.memory_space<semaphore_mem>>) src(%dma_wait3A_108 : memref<256x128xf32, #tpu.memory_space<vmem>>) dst(%dma_wait3A_104 : memref<256x128xf32, #tpu.memory_space<hbm>>)
      } else {
      }
      %lt3A_48 = arith.constant 100 : i32
      %lt3A_49 = arith.cmpi slt, %add3A_37, %lt3A_48 : i32
      %convert_element_type3A_50 = arith.extui %lt3A_49 : i1 to i32
      %cond3A_51 = arith.constant 0 : i32
      %cond3A_52 = arith.cmpi ne, %convert_element_type3A_50, %cond3A_51 : i32
      scf.if %cond3A_52 {
        %mul3A_92 = arith.constant 2 : i32
        %mul3A_93 = arith.muli %mul3A_92, %add3A_37 : i32
        %add3A_94 = arith.constant 0 : i32
        %add3A_95 = arith.addi %mul3A_93, %add3A_94 : i32
        %mul3A_96 = arith.constant 2 : i32
        %mul3A_97 = arith.muli %mul3A_96, %add3A_37 : i32
        %add3A_98 = arith.constant 1 : i32
        %add3A_99 = arith.addi %mul3A_97, %add3A_98 : i32
        %dma_start3A = arith.constant 1 : i32
        %dma_start3A_100 = arith.constant 0 : i32
        %dma_start3A_101 = arith.constant 0 : i32
        %dma_start3A_102 = tpu.memref_slice %arg6[%dma_start3A, %dma_start3A_100, %dma_start3A_101] : memref<3x256x128xf32, #tpu.memory_space<vmem>> -> memref<1x256x128xf32, #tpu.memory_space<vmem>>
        %dma_start3A_103 = tpu.memref_squeeze %dma_start3A_102 : memref<1x256x128xf32, #tpu.memory_space<vmem>> -> memref<256x128xf32, #tpu.memory_space<vmem>>
        %dma_start3A_104 = arith.constant 0 : i32
        %dma_start3A_105 = arith.constant 0 : i32
        %dma_start3A_106 = tpu.memref_slice %dma_start3A_103[%dma_start3A_104, %dma_start3A_105] : memref<256x128xf32, #tpu.memory_space<vmem>> -> memref<128x128xf32, #tpu.memory_space<vmem>>
        %dma_start3A_107 = arith.constant 0 : i32
        %dma_start3A_108 = tpu.memref_slice %arg5[%add3A_95, %dma_start3A_107] : memref<200x128xi32, #tpu.memory_space<vmem>> -> memref<1x128xi32, #tpu.memory_space<vmem>>
        %dma_start3A_109 = tpu.memref_squeeze %dma_start3A_108 : memref<1x128xi32, #tpu.memory_space<vmem>> -> memref<128xi32, #tpu.memory_space<vmem>>
        %dma_start3A_110 = arith.constant 0 : i32
        %dma_start3A_111 = arith.constant 0 : i32
        %dma_start3A_112 = tpu.memref_slice %arg2[%dma_start3A_110, %dma_start3A_111] : memref<102400x128xf32, #tpu.memory_space<hbm>> -> memref<102400x128xf32, #tpu.memory_space<hbm>>
        tpu.enqueue_indirect_dma source(%dma_start3A_112 : memref<102400x128xf32, #tpu.memory_space<hbm>>) target(%dma_start3A_106 : memref<128x128xf32, #tpu.memory_space<vmem>>) offsets(%dma_start3A_109 : memref<128xi32, #tpu.memory_space<vmem>>) semaphore(%arg8 : memref<!tpu.dma_semaphore, #tpu.memory_space<semaphore_mem>>)
        %dma_start3A_113 = arith.constant 1 : i32
        %dma_start3A_114 = arith.constant 0 : i32
        %dma_start3A_115 = arith.constant 0 : i32
        %dma_start3A_116 = tpu.memref_slice %arg6[%dma_start3A_113, %dma_start3A_114, %dma_start3A_115] : memref<3x256x128xf32, #tpu.memory_space<vmem>> -> memref<1x256x128xf32, #tpu.memory_space<vmem>>
        %dma_start3A_117 = tpu.memref_squeeze %dma_start3A_116 : memref<1x256x128xf32, #tpu.memory_space<vmem>> -> memref<256x128xf32, #tpu.memory_space<vmem>>
        %dma_start3A_118 = arith.constant 128 : i32
        %dma_start3A_119 = arith.constant 0 : i32
        %dma_start3A_120 = tpu.memref_slice %dma_start3A_117[%dma_start3A_118, %dma_start3A_119] : memref<256x128xf32, #tpu.memory_space<vmem>> -> memref<128x128xf32, #tpu.memory_space<vmem>>
        %dma_start3A_121 = arith.constant 0 : i32
        %dma_start3A_122 = tpu.memref_slice %arg5[%add3A_99, %dma_start3A_121] : memref<200x128xi32, #tpu.memory_space<vmem>> -> memref<1x128xi32, #tpu.memory_space<vmem>>
        %dma_start3A_123 = tpu.memref_squeeze %dma_start3A_122 : memref<1x128xi32, #tpu.memory_space<vmem>> -> memref<128xi32, #tpu.memory_space<vmem>>
        %dma_start3A_124 = arith.constant 0 : i32
        %dma_start3A_125 = arith.constant 0 : i32
        %dma_start3A_126 = tpu.memref_slice %arg2[%dma_start3A_124, %dma_start3A_125] : memref<102400x128xf32, #tpu.memory_space<hbm>> -> memref<102400x128xf32, #tpu.memory_space<hbm>>
        tpu.enqueue_indirect_dma source(%dma_start3A_126 : memref<102400x128xf32, #tpu.memory_space<hbm>>) target(%dma_start3A_120 : memref<128x128xf32, #tpu.memory_space<vmem>>) offsets(%dma_start3A_123 : memref<128xi32, #tpu.memory_space<vmem>>) semaphore(%arg8 : memref<!tpu.dma_semaphore, #tpu.memory_space<semaphore_mem>>)
      } else {
      }
      %ge3A_53 = arith.constant 1 : i32
      %ge3A_54 = arith.cmpi sge, %add3A_37, %ge3A_53 : i32
      %sub3A_55 = arith.constant 1 : i32
      %sub3A_56 = arith.subi %add3A_37, %sub3A_55 : i32
      %lt3A_57 = arith.constant 100 : i32
      %lt3A_58 = arith.cmpi slt, %sub3A_56, %lt3A_57 : i32
      %and3A_59 = arith.andi %ge3A_54, %lt3A_58 : i1
      %convert_element_type3A_60 = arith.extui %and3A_59 : i1 to i32
      %cond3A_61 = arith.constant 0 : i32
      %cond3A_62 = arith.cmpi ne, %convert_element_type3A_60, %cond3A_61 : i32
      scf.if %cond3A_62 {
        %sub3A_92 = arith.constant 1 : i32
        %sub3A_93 = arith.subi %add3A_37, %sub3A_92 : i32
        %mul3A_94 = arith.constant 2 : i32
        %mul3A_95 = arith.muli %mul3A_94, %sub3A_93 : i32
        %add3A_96 = arith.constant 0 : i32
        %add3A_97 = arith.addi %mul3A_95, %add3A_96 : i32
        %mul3A_98 = arith.constant 2 : i32
        %mul3A_99 = arith.muli %mul3A_98, %sub3A_93 : i32
        %add3A_100 = arith.constant 1 : i32
        %add3A_101 = arith.addi %mul3A_99, %add3A_100 : i32
        %dma_wait3A = arith.constant 0 : i32
        %dma_wait3A_102 = arith.constant 0 : i32
        %dma_wait3A_103 = arith.constant 0 : i32
        %dma_wait3A_104 = tpu.memref_slice %arg6[%dma_wait3A, %dma_wait3A_102, %dma_wait3A_103] : memref<3x256x128xf32, #tpu.memory_space<vmem>> -> memref<1x256x128xf32, #tpu.memory_space<vmem>>
        %dma_wait3A_105 = tpu.memref_squeeze %dma_wait3A_104 : memref<1x256x128xf32, #tpu.memory_space<vmem>> -> memref<256x128xf32, #tpu.memory_space<vmem>>
        %dma_wait3A_106 = arith.constant 0 : i32
        %dma_wait3A_107 = arith.constant 0 : i32
        %dma_wait3A_108 = tpu.memref_slice %dma_wait3A_105[%dma_wait3A_106, %dma_wait3A_107] : memref<256x128xf32, #tpu.memory_space<vmem>> -> memref<128x128xf32, #tpu.memory_space<vmem>>
        %dma_wait3A_109 = arith.constant 0 : i32
        %dma_wait3A_110 = tpu.memref_slice %arg5[%add3A_97, %dma_wait3A_109] : memref<200x128xi32, #tpu.memory_space<vmem>> -> memref<1x128xi32, #tpu.memory_space<vmem>>
        %dma_wait3A_111 = tpu.memref_squeeze %dma_wait3A_110 : memref<1x128xi32, #tpu.memory_space<vmem>> -> memref<128xi32, #tpu.memory_space<vmem>>
        %dma_wait3A_112 = arith.constant 0 : i32
        %dma_wait3A_113 = arith.constant 0 : i32
        %dma_wait3A_114 = tpu.memref_slice %arg2[%dma_wait3A_112, %dma_wait3A_113] : memref<102400x128xf32, #tpu.memory_space<hbm>> -> memref<102400x128xf32, #tpu.memory_space<hbm>>
        tpu.wait_indirect_dma semaphore(%arg7 : memref<!tpu.dma_semaphore, #tpu.memory_space<semaphore_mem>>) src(%dma_wait3A_114 : memref<102400x128xf32, #tpu.memory_space<hbm>>) dst(%dma_wait3A_108 : memref<128x128xf32, #tpu.memory_space<vmem>>)
        %dma_wait3A_115 = arith.constant 0 : i32
        %dma_wait3A_116 = arith.constant 0 : i32
        %dma_wait3A_117 = arith.constant 0 : i32
        %dma_wait3A_118 = tpu.memref_slice %arg6[%dma_wait3A_115, %dma_wait3A_116, %dma_wait3A_117] : memref<3x256x128xf32, #tpu.memory_space<vmem>> -> memref<1x256x128xf32, #tpu.memory_space<vmem>>
        %dma_wait3A_119 = tpu.memref_squeeze %dma_wait3A_118 : memref<1x256x128xf32, #tpu.memory_space<vmem>> -> memref<256x128xf32, #tpu.memory_space<vmem>>
        %dma_wait3A_120 = arith.constant 128 : i32
        %dma_wait3A_121 = arith.constant 0 : i32
        %dma_wait3A_122 = tpu.memref_slice %dma_wait3A_119[%dma_wait3A_120, %dma_wait3A_121] : memref<256x128xf32, #tpu.memory_space<vmem>> -> memref<128x128xf32, #tpu.memory_space<vmem>>
        %dma_wait3A_123 = arith.constant 0 : i32
        %dma_wait3A_124 = tpu.memref_slice %arg5[%add3A_101, %dma_wait3A_123] : memref<200x128xi32, #tpu.memory_space<vmem>> -> memref<1x128xi32, #tpu.memory_space<vmem>>
        %dma_wait3A_125 = tpu.memref_squeeze %dma_wait3A_124 : memref<1x128xi32, #tpu.memory_space<vmem>> -> memref<128xi32, #tpu.memory_space<vmem>>
        %dma_wait3A_126 = arith.constant 0 : i32
        %dma_wait3A_127 = arith.constant 0 : i32
        %dma_wait3A_128 = tpu.memref_slice %arg2[%dma_wait3A_126, %dma_wait3A_127] : memref<102400x128xf32, #tpu.memory_space<hbm>> -> memref<102400x128xf32, #tpu.memory_space<hbm>>
        tpu.wait_indirect_dma semaphore(%arg7 : memref<!tpu.dma_semaphore, #tpu.memory_space<semaphore_mem>>) src(%dma_wait3A_128 : memref<102400x128xf32, #tpu.memory_space<hbm>>) dst(%dma_wait3A_122 : memref<128x128xf32, #tpu.memory_space<vmem>>)
        %sub3A_129 = arith.constant 1 : i32
        %sub3A_130 = arith.subi %add3A_37, %sub3A_129 : i32
        %mul3A_131 = arith.constant 256 : i32
        %mul3A_132 = arith.muli %sub3A_130, %mul3A_131 : i32
        %add3A_133 = arith.addi %mul3A_2, %mul3A_132 : i32
        %dma_start3A = arith.constant 0 : i32
        %dma_start3A_134 = arith.constant 0 : i32
        %dma_start3A_135 = arith.constant 0 : i32
        %dma_start3A_136 = tpu.memref_slice %arg6[%dma_start3A, %dma_start3A_134, %dma_start3A_135] : memref<3x256x128xf32, #tpu.memory_space<vmem>> -> memref<1x256x128xf32, #tpu.memory_space<vmem>>
        %dma_start3A_137 = tpu.memref_squeeze %dma_start3A_136 : memref<1x256x128xf32, #tpu.memory_space<vmem>> -> memref<256x128xf32, #tpu.memory_space<vmem>>
        %dma_start3A_138 = arith.constant 0 : i32
        %dma_start3A_139 = tpu.memref_slice %arg4[%add3A_133, %dma_start3A_138] : memref<819200x128xf32, #tpu.memory_space<hbm>> -> memref<256x128xf32, #tpu.memory_space<hbm>>
        %dma_start3A_140 = arith.constant 0 : i32
        %dma_start3A_141 = tpu.memref_slice %arg4[%add3A_133, %dma_start3A_140] : memref<819200x128xf32, #tpu.memory_space<hbm>> -> memref<256x128xf32, #tpu.memory_space<hbm>>
        %dma_start3A_142 = arith.constant 0 : i32
        %dma_start3A_143 = arith.constant 0 : i32
        %dma_start3A_144 = tpu.memref_slice %arg6[%dma_start3A, %dma_start3A_142, %dma_start3A_143] : memref<3x256x128xf32, #tpu.memory_space<vmem>> -> memref<1x256x128xf32, #tpu.memory_space<vmem>>
        %dma_start3A_145 = tpu.memref_squeeze %dma_start3A_144 : memref<1x256x128xf32, #tpu.memory_space<vmem>> -> memref<256x128xf32, #tpu.memory_space<vmem>>
        tpu.enqueue_dma source(%dma_start3A_145 : memref<256x128xf32, #tpu.memory_space<vmem>>) target(%dma_start3A_141 : memref<256x128xf32, #tpu.memory_space<hbm>>) target_semaphore(%arg10 : memref<!tpu.dma_semaphore, #tpu.memory_space<semaphore_mem>>)
      } else {
      }
      %mul3A_63 = arith.constant 3 : i32
      %mul3A_64 = arith.muli %scan3A_10, %mul3A_63 : i32
      %add3A_65 = arith.constant 2 : i32
      %add3A_66 = arith.addi %mul3A_64, %add3A_65 : i32
      %ge3A_67 = arith.constant 3 : i32
      %ge3A_68 = arith.cmpi sge, %add3A_66, %ge3A_67 : i32
      %sub3A_69 = arith.constant 3 : i32
      %sub3A_70 = arith.subi %add3A_66, %sub3A_69 : i32
      %lt3A_71 = arith.constant 100 : i32
      %lt3A_72 = arith.cmpi slt, %sub3A_70, %lt3A_71 : i32
      %and3A_73 = arith.andi %ge3A_68, %lt3A_72 : i1
      %convert_element_type3A_74 = arith.extui %and3A_73 : i1 to i32
      %cond3A_75 = arith.constant 0 : i32
      %cond3A_76 = arith.cmpi ne, %convert_element_type3A_74, %cond3A_75 : i32
      scf.if %cond3A_76 {
        %sub3A_92 = arith.constant 3 : i32
        %sub3A_93 = arith.subi %add3A_66, %sub3A_92 : i32
        %mul3A_94 = arith.constant 256 : i32
        %mul3A_95 = arith.muli %sub3A_93, %mul3A_94 : i32
        %add3A_96 = arith.addi %mul3A_2, %mul3A_95 : i32
        %dma_wait3A = arith.constant 2 : i32
        %dma_wait3A_97 = arith.constant 0 : i32
        %dma_wait3A_98 = arith.constant 0 : i32
        %dma_wait3A_99 = tpu.memref_slice %arg6[%dma_wait3A, %dma_wait3A_97, %dma_wait3A_98] : memref<3x256x128xf32, #tpu.memory_space<vmem>> -> memref<1x256x128xf32, #tpu.memory_space<vmem>>
        %dma_wait3A_100 = tpu.memref_squeeze %dma_wait3A_99 : memref<1x256x128xf32, #tpu.memory_space<vmem>> -> memref<256x128xf32, #tpu.memory_space<vmem>>
        %dma_wait3A_101 = arith.constant 0 : i32
        %dma_wait3A_102 = tpu.memref_slice %arg4[%add3A_96, %dma_wait3A_101] : memref<819200x128xf32, #tpu.memory_space<hbm>> -> memref<256x128xf32, #tpu.memory_space<hbm>>
        %dma_wait3A_103 = arith.constant 0 : i32
        %dma_wait3A_104 = tpu.memref_slice %arg4[%add3A_96, %dma_wait3A_103] : memref<819200x128xf32, #tpu.memory_space<hbm>> -> memref<256x128xf32, #tpu.memory_space<hbm>>
        %dma_wait3A_105 = arith.constant 0 : i32
        %dma_wait3A_106 = arith.constant 0 : i32
        %dma_wait3A_107 = tpu.memref_slice %arg6[%dma_wait3A, %dma_wait3A_105, %dma_wait3A_106] : memref<3x256x128xf32, #tpu.memory_space<vmem>> -> memref<1x256x128xf32, #tpu.memory_space<vmem>>
        %dma_wait3A_108 = tpu.memref_squeeze %dma_wait3A_107 : memref<1x256x128xf32, #tpu.memory_space<vmem>> -> memref<256x128xf32, #tpu.memory_space<vmem>>
        tpu.wait_dma2 semaphore(%arg12 : memref<!tpu.dma_semaphore, #tpu.memory_space<semaphore_mem>>) src(%dma_wait3A_108 : memref<256x128xf32, #tpu.memory_space<vmem>>) dst(%dma_wait3A_104 : memref<256x128xf32, #tpu.memory_space<hbm>>)
      } else {
      }
      %lt3A_77 = arith.constant 100 : i32
      %lt3A_78 = arith.cmpi slt, %add3A_66, %lt3A_77 : i32
      %convert_element_type3A_79 = arith.extui %lt3A_78 : i1 to i32
      %cond3A_80 = arith.constant 0 : i32
      %cond3A_81 = arith.cmpi ne, %convert_element_type3A_79, %cond3A_80 : i32
      scf.if %cond3A_81 {
        %mul3A_92 = arith.constant 2 : i32
        %mul3A_93 = arith.muli %mul3A_92, %add3A_66 : i32
        %add3A_94 = arith.constant 0 : i32
        %add3A_95 = arith.addi %mul3A_93, %add3A_94 : i32
        %mul3A_96 = arith.constant 2 : i32
        %mul3A_97 = arith.muli %mul3A_96, %add3A_66 : i32
        %add3A_98 = arith.constant 1 : i32
        %add3A_99 = arith.addi %mul3A_97, %add3A_98 : i32
        %dma_start3A = arith.constant 2 : i32
        %dma_start3A_100 = arith.constant 0 : i32
        %dma_start3A_101 = arith.constant 0 : i32
        %dma_start3A_102 = tpu.memref_slice %arg6[%dma_start3A, %dma_start3A_100, %dma_start3A_101] : memref<3x256x128xf32, #tpu.memory_space<vmem>> -> memref<1x256x128xf32, #tpu.memory_space<vmem>>
        %dma_start3A_103 = tpu.memref_squeeze %dma_start3A_102 : memref<1x256x128xf32, #tpu.memory_space<vmem>> -> memref<256x128xf32, #tpu.memory_space<vmem>>
        %dma_start3A_104 = arith.constant 0 : i32
        %dma_start3A_105 = arith.constant 0 : i32
        %dma_start3A_106 = tpu.memref_slice %dma_start3A_103[%dma_start3A_104, %dma_start3A_105] : memref<256x128xf32, #tpu.memory_space<vmem>> -> memref<128x128xf32, #tpu.memory_space<vmem>>
        %dma_start3A_107 = arith.constant 0 : i32
        %dma_start3A_108 = tpu.memref_slice %arg5[%add3A_95, %dma_start3A_107] : memref<200x128xi32, #tpu.memory_space<vmem>> -> memref<1x128xi32, #tpu.memory_space<vmem>>
        %dma_start3A_109 = tpu.memref_squeeze %dma_start3A_108 : memref<1x128xi32, #tpu.memory_space<vmem>> -> memref<128xi32, #tpu.memory_space<vmem>>
        %dma_start3A_110 = arith.constant 0 : i32
        %dma_start3A_111 = arith.constant 0 : i32
        %dma_start3A_112 = tpu.memref_slice %arg2[%dma_start3A_110, %dma_start3A_111] : memref<102400x128xf32, #tpu.memory_space<hbm>> -> memref<102400x128xf32, #tpu.memory_space<hbm>>
        tpu.enqueue_indirect_dma source(%dma_start3A_112 : memref<102400x128xf32, #tpu.memory_space<hbm>>) target(%dma_start3A_106 : memref<128x128xf32, #tpu.memory_space<vmem>>) offsets(%dma_start3A_109 : memref<128xi32, #tpu.memory_space<vmem>>) semaphore(%arg9 : memref<!tpu.dma_semaphore, #tpu.memory_space<semaphore_mem>>)
        %dma_start3A_113 = arith.constant 2 : i32
        %dma_start3A_114 = arith.constant 0 : i32
        %dma_start3A_115 = arith.constant 0 : i32
        %dma_start3A_116 = tpu.memref_slice %arg6[%dma_start3A_113, %dma_start3A_114, %dma_start3A_115] : memref<3x256x128xf32, #tpu.memory_space<vmem>> -> memref<1x256x128xf32, #tpu.memory_space<vmem>>
        %dma_start3A_117 = tpu.memref_squeeze %dma_start3A_116 : memref<1x256x128xf32, #tpu.memory_space<vmem>> -> memref<256x128xf32, #tpu.memory_space<vmem>>
        %dma_start3A_118 = arith.constant 128 : i32
        %dma_start3A_119 = arith.constant 0 : i32
        %dma_start3A_120 = tpu.memref_slice %dma_start3A_117[%dma_start3A_118, %dma_start3A_119] : memref<256x128xf32, #tpu.memory_space<vmem>> -> memref<128x128xf32, #tpu.memory_space<vmem>>
        %dma_start3A_121 = arith.constant 0 : i32
        %dma_start3A_122 = tpu.memref_slice %arg5[%add3A_99, %dma_start3A_121] : memref<200x128xi32, #tpu.memory_space<vmem>> -> memref<1x128xi32, #tpu.memory_space<vmem>>
        %dma_start3A_123 = tpu.memref_squeeze %dma_start3A_122 : memref<1x128xi32, #tpu.memory_space<vmem>> -> memref<128xi32, #tpu.memory_space<vmem>>
        %dma_start3A_124 = arith.constant 0 : i32
        %dma_start3A_125 = arith.constant 0 : i32
        %dma_start3A_126 = tpu.memref_slice %arg2[%dma_start3A_124, %dma_start3A_125] : memref<102400x128xf32, #tpu.memory_space<hbm>> -> memref<102400x128xf32, #tpu.memory_space<hbm>>
        tpu.enqueue_indirect_dma source(%dma_start3A_126 : memref<102400x128xf32, #tpu.memory_space<hbm>>) target(%dma_start3A_120 : memref<128x128xf32, #tpu.memory_space<vmem>>) offsets(%dma_start3A_123 : memref<128xi32, #tpu.memory_space<vmem>>) semaphore(%arg9 : memref<!tpu.dma_semaphore, #tpu.memory_space<semaphore_mem>>)
      } else {
      }
      %ge3A_82 = arith.constant 1 : i32
      %ge3A_83 = arith.cmpi sge, %add3A_66, %ge3A_82 : i32
      %sub3A_84 = arith.constant 1 : i32
      %sub3A_85 = arith.subi %add3A_66, %sub3A_84 : i32
      %lt3A_86 = arith.constant 100 : i32
      %lt3A_87 = arith.cmpi slt, %sub3A_85, %lt3A_86 : i32
      %and3A_88 = arith.andi %ge3A_83, %lt3A_87 : i1
      %convert_element_type3A_89 = arith.extui %and3A_88 : i1 to i32
      %cond3A_90 = arith.constant 0 : i32
      %cond3A_91 = arith.cmpi ne, %convert_element_type3A_89, %cond3A_90 : i32
      scf.if %cond3A_91 {
        %sub3A_92 = arith.constant 1 : i32
        %sub3A_93 = arith.subi %add3A_66, %sub3A_92 : i32
        %mul3A_94 = arith.constant 2 : i32
        %mul3A_95 = arith.muli %mul3A_94, %sub3A_93 : i32
        %add3A_96 = arith.constant 0 : i32
        %add3A_97 = arith.addi %mul3A_95, %add3A_96 : i32
        %mul3A_98 = arith.constant 2 : i32
        %mul3A_99 = arith.muli %mul3A_98, %sub3A_93 : i32
        %add3A_100 = arith.constant 1 : i32
        %add3A_101 = arith.addi %mul3A_99, %add3A_100 : i32
        %dma_wait3A = arith.constant 1 : i32
        %dma_wait3A_102 = arith.constant 0 : i32
        %dma_wait3A_103 = arith.constant 0 : i32
        %dma_wait3A_104 = tpu.memref_slice %arg6[%dma_wait3A, %dma_wait3A_102, %dma_wait3A_103] : memref<3x256x128xf32, #tpu.memory_space<vmem>> -> memref<1x256x128xf32, #tpu.memory_space<vmem>>
        %dma_wait3A_105 = tpu.memref_squeeze %dma_wait3A_104 : memref<1x256x128xf32, #tpu.memory_space<vmem>> -> memref<256x128xf32, #tpu.memory_space<vmem>>
        %dma_wait3A_106 = arith.constant 0 : i32
        %dma_wait3A_107 = arith.constant 0 : i32
        %dma_wait3A_108 = tpu.memref_slice %dma_wait3A_105[%dma_wait3A_106, %dma_wait3A_107] : memref<256x128xf32, #tpu.memory_space<vmem>> -> memref<128x128xf32, #tpu.memory_space<vmem>>
        %dma_wait3A_109 = arith.constant 0 : i32
        %dma_wait3A_110 = tpu.memref_slice %arg5[%add3A_97, %dma_wait3A_109] : memref<200x128xi32, #tpu.memory_space<vmem>> -> memref<1x128xi32, #tpu.memory_space<vmem>>
        %dma_wait3A_111 = tpu.memref_squeeze %dma_wait3A_110 : memref<1x128xi32, #tpu.memory_space<vmem>> -> memref<128xi32, #tpu.memory_space<vmem>>
        %dma_wait3A_112 = arith.constant 0 : i32
        %dma_wait3A_113 = arith.constant 0 : i32
        %dma_wait3A_114 = tpu.memref_slice %arg2[%dma_wait3A_112, %dma_wait3A_113] : memref<102400x128xf32, #tpu.memory_space<hbm>> -> memref<102400x128xf32, #tpu.memory_space<hbm>>
        tpu.wait_indirect_dma semaphore(%arg8 : memref<!tpu.dma_semaphore, #tpu.memory_space<semaphore_mem>>) src(%dma_wait3A_114 : memref<102400x128xf32, #tpu.memory_space<hbm>>) dst(%dma_wait3A_108 : memref<128x128xf32, #tpu.memory_space<vmem>>)
        %dma_wait3A_115 = arith.constant 1 : i32
        %dma_wait3A_116 = arith.constant 0 : i32
        %dma_wait3A_117 = arith.constant 0 : i32
        %dma_wait3A_118 = tpu.memref_slice %arg6[%dma_wait3A_115, %dma_wait3A_116, %dma_wait3A_117] : memref<3x256x128xf32, #tpu.memory_space<vmem>> -> memref<1x256x128xf32, #tpu.memory_space<vmem>>
        %dma_wait3A_119 = tpu.memref_squeeze %dma_wait3A_118 : memref<1x256x128xf32, #tpu.memory_space<vmem>> -> memref<256x128xf32, #tpu.memory_space<vmem>>
        %dma_wait3A_120 = arith.constant 128 : i32
        %dma_wait3A_121 = arith.constant 0 : i32
        %dma_wait3A_122 = tpu.memref_slice %dma_wait3A_119[%dma_wait3A_120, %dma_wait3A_121] : memref<256x128xf32, #tpu.memory_space<vmem>> -> memref<128x128xf32, #tpu.memory_space<vmem>>
        %dma_wait3A_123 = arith.constant 0 : i32
        %dma_wait3A_124 = tpu.memref_slice %arg5[%add3A_101, %dma_wait3A_123] : memref<200x128xi32, #tpu.memory_space<vmem>> -> memref<1x128xi32, #tpu.memory_space<vmem>>
        %dma_wait3A_125 = tpu.memref_squeeze %dma_wait3A_124 : memref<1x128xi32, #tpu.memory_space<vmem>> -> memref<128xi32, #tpu.memory_space<vmem>>
        %dma_wait3A_126 = arith.constant 0 : i32
        %dma_wait3A_127 = arith.constant 0 : i32
        %dma_wait3A_128 = tpu.memref_slice %arg2[%dma_wait3A_126, %dma_wait3A_127] : memref<102400x128xf32, #tpu.memory_space<hbm>> -> memref<102400x128xf32, #tpu.memory_space<hbm>>
        tpu.wait_indirect_dma semaphore(%arg8 : memref<!tpu.dma_semaphore, #tpu.memory_space<semaphore_mem>>) src(%dma_wait3A_128 : memref<102400x128xf32, #tpu.memory_space<hbm>>) dst(%dma_wait3A_122 : memref<128x128xf32, #tpu.memory_space<vmem>>)
        %sub3A_129 = arith.constant 1 : i32
        %sub3A_130 = arith.subi %add3A_66, %sub3A_129 : i32
        %mul3A_131 = arith.constant 256 : i32
        %mul3A_132 = arith.muli %sub3A_130, %mul3A_131 : i32
        %add3A_133 = arith.addi %mul3A_2, %mul3A_132 : i32
        %dma_start3A = arith.constant 1 : i32
        %dma_start3A_134 = arith.constant 0 : i32
        %dma_start3A_135 = arith.constant 0 : i32
        %dma_start3A_136 = tpu.memref_slice %arg6[%dma_start3A, %dma_start3A_134, %dma_start3A_135] : memref<3x256x128xf32, #tpu.memory_space<vmem>> -> memref<1x256x128xf32, #tpu.memory_space<vmem>>
        %dma_start3A_137 = tpu.memref_squeeze %dma_start3A_136 : memref<1x256x128xf32, #tpu.memory_space<vmem>> -> memref<256x128xf32, #tpu.memory_space<vmem>>
        %dma_start3A_138 = arith.constant 0 : i32
        %dma_start3A_139 = tpu.memref_slice %arg4[%add3A_133, %dma_start3A_138] : memref<819200x128xf32, #tpu.memory_space<hbm>> -> memref<256x128xf32, #tpu.memory_space<hbm>>
        %dma_start3A_140 = arith.constant 0 : i32
        %dma_start3A_141 = tpu.memref_slice %arg4[%add3A_133, %dma_start3A_140] : memref<819200x128xf32, #tpu.memory_space<hbm>> -> memref<256x128xf32, #tpu.memory_space<hbm>>
        %dma_start3A_142 = arith.constant 0 : i32
        %dma_start3A_143 = arith.constant 0 : i32
        %dma_start3A_144 = tpu.memref_slice %arg6[%dma_start3A, %dma_start3A_142, %dma_start3A_143] : memref<3x256x128xf32, #tpu.memory_space<vmem>> -> memref<1x256x128xf32, #tpu.memory_space<vmem>>
        %dma_start3A_145 = tpu.memref_squeeze %dma_start3A_144 : memref<1x256x128xf32, #tpu.memory_space<vmem>> -> memref<256x128xf32, #tpu.memory_space<vmem>>
        tpu.enqueue_dma source(%dma_start3A_145 : memref<256x128xf32, #tpu.memory_space<vmem>>) target(%dma_start3A_141 : memref<256x128xf32, #tpu.memory_space<hbm>>) target_semaphore(%arg11 : memref<!tpu.dma_semaphore, #tpu.memory_space<semaphore_mem>>)
      } else {
      }
    }
    %scan3A_9 = arith.constant 35 : i32
    return
  }
}

module attributes {stable_mosaic.version = 14 : i64} {
  func.func @_transform_body(%arg0: i32, %arg1: memref<64x12800xf32, #tpu.memory_space<vmem>>, %arg2: memref<64x128xf32, #tpu.memory_space<vmem>>, %arg3: memref<1x128xf32, #tpu.memory_space<vmem>>, %arg4: memref<1x128xf32, #tpu.memory_space<vmem>>, %arg5: memref<1x128xf32, #tpu.memory_space<vmem>>, %arg6: memref<12800x128xf32, #tpu.memory_space<vmem>>) attributes {dimension_semantics = [#tpu.dimension_semantics<arbitrary>], iteration_bounds = array<i64: 8>, scalar_prefetch = 0 : i64, scratch_operands = 0 : i64, tpu.core_type = #tpu.core_type<tc>, window_params = [{transform_indices = @transform_0, window_bounds = array<i64: 64, 12800>}, {pipeline_mode = #tpu.pipeline_mode<synchronous>, transform_indices = @transform_1, window_bounds = array<i64: 64, 128>}, {pipeline_mode = #tpu.pipeline_mode<synchronous>, transform_indices = @transform_2, window_bounds = array<i64: 1, 128>}, {pipeline_mode = #tpu.pipeline_mode<synchronous>, transform_indices = @transform_3, window_bounds = array<i64: 1, 128>}, {pipeline_mode = #tpu.pipeline_mode<synchronous>, transform_indices = @transform_4, window_bounds = array<i64: 1, 128>}, {transform_indices = @transform_5, window_bounds = array<i64: 12800, 128>}]} {
    %get3A = arith.constant 0 : index
    %get3A_0 = arith.constant 0 : index
    %get3A_1 = vector.load %arg1[%get3A, %get3A_0] : memref<64x12800xf32, #tpu.memory_space<vmem>>, vector<64x12800xf32>
    %get3A_2 = arith.constant 0 : index
    %get3A_3 = arith.constant 0 : index
    %get3A_4 = vector.load %arg2[%get3A_2, %get3A_3] : memref<64x128xf32, #tpu.memory_space<vmem>>, vector<64x128xf32>
    %dot_general3A = arith.constant dense<0.000000e+00> : vector<12800x128xf32>
    %dot_general3A_5 = tpu.matmul %get3A_1, %get3A_4, %dot_general3A {dimension_numbers = #tpu.dot_dimension_numbers<[0], [0], [1], [1], [0, 1, 1, 1], [], []>, transpose_lhs_hint = false} : vector<64x12800xf32>, vector<64x128xf32>, vector<12800x128xf32> -> vector<12800x128xf32>
    %get3A_6 = arith.constant 0 : index
    %get3A_7 = arith.constant 0 : index
    %get3A_8 = vector.load %arg3[%get3A_6, %get3A_7] : memref<1x128xf32, #tpu.memory_space<vmem>>, vector<1x128xf32>
    %add3A = vector.broadcast %get3A_8 : vector<1x128xf32> to vector<12800x128xf32>
    %add3A_9 = arith.addf %dot_general3A_5, %add3A : vector<12800x128xf32>
    %broadcast_in_dim3A = arith.constant 7.812500e-03 : f32
    %broadcast_in_dim3A_10 = vector.broadcast %broadcast_in_dim3A : f32 to vector<128x128xf32>
    %dot_general3A_11 = arith.constant dense<0.000000e+00> : vector<12800x128xf32>
    %dot_general3A_12 = tpu.matmul %add3A_9, %broadcast_in_dim3A_10, %dot_general3A_11 {dimension_numbers = #tpu.dot_dimension_numbers<[1], [0], [0], [1], [0, 0, 1, 1], [], []>, transpose_lhs_hint = false} : vector<12800x128xf32>, vector<128x128xf32>, vector<12800x128xf32> -> vector<12800x128xf32>
    %mul3A = arith.mulf %add3A_9, %add3A_9 : vector<12800x128xf32>
    %dot_general3A_13 = arith.constant dense<0.000000e+00> : vector<12800x128xf32>
    %dot_general3A_14 = tpu.matmul %mul3A, %broadcast_in_dim3A_10, %dot_general3A_13 {dimension_numbers = #tpu.dot_dimension_numbers<[1], [0], [0], [1], [0, 0, 1, 1], [], []>, transpose_lhs_hint = false} : vector<12800x128xf32>, vector<128x128xf32>, vector<12800x128xf32> -> vector<12800x128xf32>
    %mul3A_15 = arith.mulf %dot_general3A_12, %dot_general3A_12 : vector<12800x128xf32>
    %sub3A = arith.subf %dot_general3A_14, %mul3A_15 : vector<12800x128xf32>
    %sub3A_16 = arith.subf %add3A_9, %dot_general3A_12 : vector<12800x128xf32>
    %add3A_17 = arith.constant 9.99999974E-6 : f32
    %add3A_18 = vector.broadcast %add3A_17 : f32 to vector<12800x128xf32>
    %add3A_19 = arith.addf %sub3A, %add3A_18 : vector<12800x128xf32>
    %rsqrt3A = math.rsqrt %add3A_19 : vector<12800x128xf32>
    %mul3A_20 = arith.mulf %sub3A_16, %rsqrt3A : vector<12800x128xf32>
    %get3A_21 = arith.constant 0 : index
    %get3A_22 = arith.constant 0 : index
    %get3A_23 = vector.load %arg4[%get3A_21, %get3A_22] : memref<1x128xf32, #tpu.memory_space<vmem>>, vector<1x128xf32>
    %mul3A_24 = vector.broadcast %get3A_23 : vector<1x128xf32> to vector<12800x128xf32>
    %mul3A_25 = arith.mulf %mul3A_20, %mul3A_24 : vector<12800x128xf32>
    %get3A_26 = arith.constant 0 : index
    %get3A_27 = arith.constant 0 : index
    %get3A_28 = vector.load %arg5[%get3A_26, %get3A_27] : memref<1x128xf32, #tpu.memory_space<vmem>>, vector<1x128xf32>
    %add3A_29 = vector.broadcast %get3A_28 : vector<1x128xf32> to vector<12800x128xf32>
    %add3A_30 = arith.addf %mul3A_25, %add3A_29 : vector<12800x128xf32>
    %swap3A = arith.constant 0 : index
    %swap3A_31 = arith.constant 0 : index
    %swap3A_32 = vector.load %arg6[%swap3A, %swap3A_31] : memref<12800x128xf32, #tpu.memory_space<vmem>>, vector<12800x128xf32>
    tpu.vector_store %arg6[%swap3A, %swap3A_31], %add3A_30 {strides = array<i32>} : memref<12800x128xf32, #tpu.memory_space<vmem>>, vector<12800x128xf32>,
    return
  }
  func.func @transform_0(%arg0: i32) -> (i32, i32) {
    %c0_i32 = arith.constant 0 : i32
    %c0_i32_0 = arith.constant 0 : i32
    return %c0_i32, %arg0 : i32, i32
  }
  func.func @transform_1(%arg0: i32) -> (i32, i32) {
    %c0_i32 = arith.constant 0 : i32
    %c0_i32_0 = arith.constant 0 : i32
    %c0_i32_1 = arith.constant 0 : i32
    return %c0_i32, %c0_i32_0 : i32, i32
  }
  func.func @transform_2(%arg0: i32) -> (i32, i32) {
    %c0_i32 = arith.constant 0 : i32
    %c0_i32_0 = arith.constant 0 : i32
    %c0_i32_1 = arith.constant 0 : i32
    return %c0_i32, %c0_i32_0 : i32, i32
  }
  func.func @transform_3(%arg0: i32) -> (i32, i32) {
    %c0_i32 = arith.constant 0 : i32
    %c0_i32_0 = arith.constant 0 : i32
    %c0_i32_1 = arith.constant 0 : i32
    return %c0_i32, %c0_i32_0 : i32, i32
  }
  func.func @transform_4(%arg0: i32) -> (i32, i32) {
    %c0_i32 = arith.constant 0 : i32
    %c0_i32_0 = arith.constant 0 : i32
    %c0_i32_1 = arith.constant 0 : i32
    return %c0_i32, %c0_i32_0 : i32, i32
  }
  func.func @transform_5(%arg0: i32) -> (i32, i32) {
    %c0_i32 = arith.constant 0 : i32
    %c0_i32_0 = arith.constant 0 : i32
    return %arg0, %c0_i32 : i32, i32
  }
}

</mosaic_0001>

<sc_bundles>
// kernel: kernel.4.cloned.1.call-start
scs
__scs_entry_jumppad:
0x0: {  	(pc) =	sbr.rel $0x88, $3  }
0x1: {  	(tag) =	ssettag $0x0;
	lr =	simm.s32 $0x1  }
0x2: {  	[smem:$0x3F9B] =	sst lr;
	_ =	strace $0xD0000000  }
0x3: {  	_ = 	snop  }
0x4: {  	_ = 	snop  }
0x5: {  	_ = 	snop  }
0x6: {  	_ = 	snop  }
0x7: {  	_ = 	snop  }
__scs_overlays_trampoline_lowered:
0x8: {  	[smem:$0x3FAA] =	sst s0  }
0x9: {  	[smem:$0x3FAB] =	sst s1  }
0xa: {  	[smem:$0x3FAC] =	sst s2  }
0xb: {  	[smem:$0x3FAD] =	sst s3  }
0xc: {  	[smem:$0x3FAE] =	sst s4  }
0xd: {  	[smem:$0x3FAF] =	sst s5  }
0xe: {  	[smem:$0x3FB0] =	sst s6  }
0xf: {  	[smem:$0x3FB1] =	sst s7  }
0x10: {  	[smem:$0x3FB2] =	sst s8  }
0x11: {  	[smem:$0x3FB3] =	sst s9;
	s0 =	simm.s32 @!p0 $0x0  }
0x12: {  	s1 =	sld [smem:$0x3F99];
	s0 =	simm.s32 @p0 $0x1  }
0x13: {  	[smem:$0x3FB4] =	sst s0;
	s0 =	simm.s32 @!p1 $0x0  }
0x14: {  	s2 =	sld [smem:$0x3F98];
	s0 =	simm.s32 @p1 $0x1  }
0x15: {  	[smem:$0x3FB5] =	sst s0;
	s0 =	simm.s32 @!p2 $0x0  }
0x16: {  	s3 =	sld [smem:$0x3FDB];
	s0 =	simm.s32 @p2 $0x1  }
0x17: {  	s4 =	simm.s32 $0x1BF5;
	[smem:$0x3FB7] =	sst s0  }
0x18: {  	s0 =	sld [smem:$0x3F9A];
	_ =	swait.ge [sflag:s4], $0x0  }
0x19: {  	s7 =	sld [smem:$0x3F9B]  }
0x1a: {  	s8 =	sadd.s32 $0xFFFFE003, lr  }
0x1b: {  	s9 =	sadd.s32 $0xFFFFFEF7, lr;
	s5 =	simm.s32 $0xFFFFFFFF;
	p2 =	slt.u32 s8, $0xFFFFF086  }
0x1c: {  	p1 =	slt.u32 s9, $0xF7A;
	s5 =	simm.s32 @!p2 $0x0  }
0x1d: {  	s5 =	simm.s32 @p1 $0x1;
	p0 =	seq.s32 s7, s2  }
0x1e: {  	s7 =	smul.u32 @!p0 $0xF7A, s2;
	p2 =	seq.s32 @!p0 s5, $0x0  }
0x1f: {  	s9 =	smul.u32 $0xF7A, s1;
	s8 =	simm.s32 @!p0 $0x1BF5;
	p2 =	por !p2, p0  }
0x20: {  	[sflag:s8] =	ssyncset.s32 @!p0 $0xFFFFF086;
	s6 =	sadd.s32 @!p0 s3, s7;
	s7 =	simm.s32 @!p0 $0x108  }
0x21: {  	s3 =	sadd.s32 s3, s9;
	s6 =	sadd.s32 @!p0 $0x88, s6;
	s7 =	simm.s32 @p2 $0x1082  }
0x22: {  	[simem:s7], [sflag:s8] =	dma.local @!p0 [hbm:s6], $0xF7A  }
0x23: {  	s9 =	sor.u32 $0xD0000000, s2;
	s6 =	simm.s32 $0x108;
	_ =	swait.ge @!p0 [sflag:s8], $0x0  }
0x24: {  	s3 =	sadd.s32 $0x88, s3;
	s6 =	simm.s32 @!p1 $0x1082;
	[sflag:s4] =	ssyncset.s32 $0xFFFFF086  }
0x25: {  	[simem:s6], [sflag:s4] =	dma.local [hbm:s3], $0xF7A  }
0x26: {  	[smem:$0x3F9B] =	sst s1;
	(tag) =	ssettag s2;
	_ =	strace s9  }
0x27: {  	s1 =	sld [smem:$0x3FAB]  }
0x28: {  	s2 =	sld [smem:$0x3FAC]  }
0x29: {  	s4 =	sld [smem:$0x3FAE]  }
0x2a: {  	p0 =	seq.s32 s5, $0x0;
	s5 =	sld [smem:$0x3FAF]  }
0x2b: {  	s6 =	sld [smem:$0x3FB0]  }
0x2c: {  	s7 =	sld [smem:$0x3FB1]  }
0x2d: {  	s3 =	simm.s32 $0x108;
	s8 =	sld [smem:$0x3FB2]  }
0x2e: {  	s3 =	simm.s32 @!p0 $0x1082;
	s9 =	sld [smem:$0x3FB3]  }
0x2f: {  	lr =	sadd.s32 s0, s3;
	s0 =	sld [smem:$0x3FAA]  }
0x30: {  	s3 =	sld [smem:$0x3FAD]  }
0x31: {  	[smem:$0x3FB6] =	sst s10  }
0x32: {  	s10 =	sld [smem:$0x3FB4];
	_ =	sdelay $0x3  }
0x33: {  	p0 =	seq.s32 s10, $0x1;
	s10 =	sld [smem:$0x3FB6];
	_ =	sdelay $0x3  }
0x34: {  	[smem:$0x3FB6] =	sst s10  }
0x35: {  	s10 =	sld [smem:$0x3FB5];
	_ =	sdelay $0x3  }
0x36: {  	p1 =	seq.s32 s10, $0x1;
	s10 =	sld [smem:$0x3FB6];
	_ =	sdelay $0x3  }
0x37: {  	[smem:$0x3FB6] =	sst s10  }
0x38: {  	s10 =	sld [smem:$0x3FB7]  }
0x39: {  	_ = 	snop;
	(pc) =	sbr.ind lr, $3  }
0x3a: {  	_ = 	snop  }
0x3b: {  	_ = 	snop  }
0x3c: {  	p2 =	seq.s32 s10, $0x1;
	s10 =	sld [smem:$0x3FB6]  }
0x3d: {  	_ =	shalt  }
0x3e: {  	_ =	shalt  }
0x3f: {  	_ =	shalt  }
0x40: {  	_ =	shalt  }
0x41: {  	_ =	shalt  }
0x42: {  	_ =	shalt  }
0x43: {  	_ =	shalt  }
0x44: {  	_ =	shalt  }
0x45: {  	_ =	shalt  }
0x46: {  	_ =	shalt  }
0x47: {  	_ =	shalt  }
0x48: {  	_ =	shalt  }
0x49: {  	_ =	shalt  }
0x4a: {  	_ =	shalt  }
0x4b: {  	_ =	shalt  }
0x4c: {  	_ =	shalt  }
0x4d: {  	_ =	shalt  }
0x4e: {  	_ =	shalt  }
0x4f: {  	_ =	shalt  }
0x50: {  	_ =	shalt  }
0x51: {  	_ =	shalt  }
0x52: {  	_ =	shalt  }
0x53: {  	_ =	shalt  }
0x54: {  	_ =	shalt  }
0x55: {  	_ =	shalt  }
0x56: {  	_ =	shalt  }
0x57: {  	_ =	shalt  }
0x58: {  	_ =	shalt  }
0x59: {  	_ =	shalt  }
0x5a: {  	_ =	shalt  }
0x5b: {  	_ =	shalt  }
0x5c: {  	_ =	shalt  }
0x5d: {  	_ =	shalt  }
0x5e: {  	_ =	shalt  }
0x5f: {  	_ =	shalt  }
0x60: {  	_ =	shalt  }
0x61: {  	_ =	shalt  }
0x62: {  	_ =	shalt  }
0x63: {  	_ =	shalt  }
0x64: {  	_ =	shalt  }
0x65: {  	_ =	shalt  }
0x66: {  	_ =	shalt  }
0x67: {  	_ =	shalt  }
0x68: {  	_ =	shalt  }
0x69: {  	_ =	shalt  }
0x6a: {  	_ =	shalt  }
0x6b: {  	_ =	shalt  }
0x6c: {  	_ =	shalt  }
0x6d: {  	_ =	shalt  }
0x6e: {  	_ =	shalt  }
0x6f: {  	_ =	shalt  }
0x70: {  	_ =	shalt  }
0x71: {  	_ =	shalt  }
0x72: {  	_ =	shalt  }
0x73: {  	_ =	shalt  }
0x74: {  	_ =	shalt  }
0x75: {  	_ =	shalt  }
0x76: {  	_ =	shalt  }
0x77: {  	_ =	shalt  }
0x78: {  	_ =	shalt  }
0x79: {  	_ =	shalt  }
0x7a: {  	_ =	shalt  }
0x7b: {  	_ =	shalt  }
0x7c: {  	_ =	shalt  }
0x7d: {  	_ =	shalt  }
0x7e: {  	_ =	shalt  }
0x7f: {  	_ =	shalt  }
0x80: {  	_ =	shalt  }
0x81: {  	_ =	shalt  }
0x82: {  	_ =	shalt  }
0x83: {  	_ =	shalt  }
0x84: {  	_ =	shalt  }
0x85: {  	_ =	shalt  }
0x86: {  	_ =	shalt  }
0x87: {  	_ =	shalt  }
.Lfunc_end0:
.L_simem_size_0:
called_computation_lowered:
.L_overlay_start_0:
0x88: {  	s2 =	sld [smem:$0x3FD9]  }
0x89: {  	s3 =	sld [smem:$0x3FFE];
	_ =	sdelay $0x1  }
0x8a: {  	s1 =	srdreg.scid  }
0x8b: {  	s0 =	sand.u32 $0x1, s1  }
0x8c: {  	s17 =	sshll.u32 s0, $0xA;
	s2 =	sadd.s32 s3, s2  }
0x8d: {  	s2 =	sadd.s32 s2, s17  }
0x8e: {  	[smem:$0x3FC2] =	sst s2  }
0x8f: {  	_ = 	snop  }
0x90: {  	s2 =	sld [smem:$0x3FD0];
	(tm) =	ssettm $0x1  }
0x91: {  	s18 =	sld [smem:$0x3FFB];
	_ =	sdelay $0x3  }
0x92: {  	_ =	strace s18  }
0x93: {  	s3 =	sld [smem:$0x3FFC];
	_ =	sdelay $0x3  }
0x94: {  	_ =	strace s3  }
0x95: {  	s3 =	sld [smem:$0x3FFD];
	_ =	sdelay $0x3  }
0x96: {  	_ =	strace s3  }
0x97: {  	_ =	strace $0x8FFFFFFF  }
0x98: {  	s19 =	sld [smem:$0x3FDB];
	_ =	sdelay $0x1  }
0x99: {  	s4 =	simm.s32 $_scs_section_size  }
0x9a: {  	s5 =	simm.s32 $_size__tile_overlayer_lowered;
	s6 =	simm.s32 $_tile_overlayer_lowered  }
0x9b: {  	s22 =	simm.s32 $0x1BFF;
	s21 =	sshll.u32 s6, $0x1;
	s3 =	sadd.s32 s4, s19  }
0x9c: {  	s7 =	simm.s32 $0x0;
	s20 =	sshll.u32 s5, $0x1;
	s5 =	sadd.s32 s21, s3  }
0x9d: {  	[timem:s7], [sflag:s22] =	dma.local [hbm:s5], s20  }
0x9e: {  	_ =	swait.ge [sflag:s22], s20  }
0x9f: {  	s4 =	ssub.s32 $0x0, s20;
	[sflag:s22] =	ssyncset.done $0x0  }
0xa0: {  	[sflag:s22] =	ssyncadd.s32 s4;
	_ =	sdelay $0x1  }
0xa1: {  	s23 =	simm.s32 $0x1B8B  }
0xa2: {  	_ =	swait.ge [sflag:s23], $0x1  }
0xa3: {  	[sflag:s23] =	ssyncset.done $0x0  }
0xa4: {  	s25 =	simm.s32 $0x1B8E;
	s24 =	sld [smem:$0x3FFE];
	[sflag:s23] =	ssyncadd.s32 $0xFFFFFFFF  }
0xa5: {  	s26 =	simm.s32 $execute0_lowered;
	[smem:$0x3FD2] =	sst s25  }
0xa6: {  	s5 =	sshll.u32 s26, $0x1;
	_ =	strace $0x80000046;
	[dreg:$0x1] =	wrdreg $0xFFFFFFFF  }
0xa7: {  	s28 =	simm.s32 $_size_execute0_lowered;
	s3 =	sadd.s32 s3, s5;
	[dreg:$0x0] =	wrdreg $0x0  }
0xa8: {  	s5 =	sshll.u32 s28, $0x1;
	[dreg:$0x2] =	wrdreg s3  }
0xa9: {  	[dreg:$0x3] =	wrdreg s5  }
0xaa: {  	[dreg:$0x4] =	wrdreg $0xC0  }
0xab: {  	_ =	task [dreg:s7], $0x5FFFF  }
0xac: {  	[dreg:$0x1] =	wrdreg $0xFFFFFFFF  }
0xad: {  	[dreg:$0x0] =	wrdreg $0x60  }
0xae: {  	[dreg:$0x2] =	wrdreg s24  }
0xaf: {  	[dreg:$0x3] =	wrdreg s2  }
0xb0: {  	[dreg:$0x4] =	wrdreg $0x9  }
0xb1: {  	_ =	task.clear_ibuf [dreg:s7], $0x5FFFF;
	_ =	strace $0x90000046  }
0xb2: {  	s29 =	simm.s32 $0x9;
	_ =	strace $0x80000048  }
0xb3: {  	_ =	swait.ge [sflag:s29], $0x1  }
0xb4: {  	[sflag:s29] =	ssyncadd.s32 $0xFFFFFFFF  }
0xb5: {  	_ =	strace $0x90000048  }
0xb6: {  	_ =	sfence  }
0xb7: {  	s30 =	sld [smem:$0x0];
	_ =	sdelay $0x2  }
0xb8: {  	s31 =	sshll.u32 s1, $0xD;
	s1 =	sshrl.u32 s1, $0x2  }
0xb9: {  	s3 =	sand.u32 $0x4000, s31;
	s1 =	sadd.s32 s1, s30  }
0xba: {  	s0 =	sor.u32 s3, s0;
	s1 =	sshll.u32 s1, $0x11  }
0xbb: {  	s0 =	sor.u32 s1, s0  }
0xbc: {  	s0 =	sadd.s32 $0x8F2B, s0  }
0xbd: {  	[sflag:s0] =	ssyncadd.remote.s32 $0x1  }
0xbe: {  	_ =	sfence.sel $0xFFFF  }
0xbf: {  	[dreg:$0x0] =	wrdreg $0xFFFFFFFF;
	(pc) =	sbr.abs _section_cstart, $3  }
0xc0: {  	[dreg:$0x1] =	wrdreg $0xFFFFFFFF  }
0xc1: {  	_ =	task.clear_ibuf [dreg:s7], $0x2FFFF;
	_ =	strace $0x9FFFFFFF  }
0xc2: {  	(tm) =	ssettm $0x7FFFFFFF  }
0xc3: {  	_ =	shalt  }
tec
execute0_lowered:
.L_overlay_start_1:
0x0: {  	(tag) =	ssettag $0x1  }
0x1: {  	s5 =	rddreg [dreg:$0x0];
	s1 =	srdreg.scid  }
0x2: {  	s0 =	stileid.u32;
	s2 =	rddreg [dreg:$0x1];
	s3 =	simm.s32 $0x0  }
0x3: {  	s12 =	simm.s32 $0x6400;
	s13 =	simm.s32 $0xA400;
	s14 =	simm.s32 $0x1  }
0x4: {  	s15 =	simm.s32 $0x6;
	s16 =	simm.s32 $0x16400;
	s17 =	simm.s32 $0x1A400  }
0x5: {  	s18 =	simm.s32 $0x2;
	s19 =	simm.s32 $0xE400;
	s9 =	smul.u32 $0x640000, s0  }
0x6: {  	s20 =	simm.s32 $0x0;
	s6 =	sand.u32 $0x1, s1;
	s29 =	smul.u32 $0xC8000, s0  }
0x7: {  	s4 =	sshll.u32 s0, $0x1;
	[smem:$0x7FF] =	sst s3;
	s11 =	smul.u32 $0x320000, s6  }
0x8: {  	s4 =	sor.u32 s6, s4;
	s8 =	ssub.s32 $0x2, s6;
	s30 =	smul.u32 $0x64000, s6  }
0x9: {  	_ =	strace $0x80000047;
	s7 =	smul.u32 $0xC80, s4;
	s10 =	sshrl.u32 s8, $0x1  }
.Ltmp0:
0xa: {  	s4 =	sadd.s32 $0x19C00, s5;
	s28 =	ssub.s32 s8, s10;
	(pc) =	sbr.rel .LBB2_1-.Ltmp0, $4  }
0xb: {  	s9 =	sadd.s32 s11, s9;
	s8 =	sadd.s32 s29, s2;
	s10 =	simm.s32 $0x7  }
0xc: {  	s5 =	sadd.s32 s7, s5;
	s6 =	smax.u32 s28, $0x1;
	s11 =	sor.u32 $0x8000, s9  }
0xd: {  	s7 =	sadd.s32 $0xFFFF8000, s9;
	s8 =	sadd.s32 s30, s8;
	s31 =	sshrl.u32 s11, $0x3  }
0xe: {  	s5 =	sadd.s32 $0xC00, s5;
	s11 =	simm.s32 $0x80;
	s9 =	sadd.s32 s31, s2  }
.LBB2_8:
0xf: {  	s20 =	sadd.s32 $0x1, s20  }
0x10: {  	p0 =	sne.s32 s20, s6  }
.Ltmp1:
0x11: {  	_ = 	snop;
	(pc) =	sbr.rel @!p0 .LBB2_9-.Ltmp1, $1  }
0x12: {  	_ =	sdelay $0x3  }
.LBB2_1:
.Ltmp2:
0x13: {  	(pc) =	sbr.rel .LBB2_2-.Ltmp2, $4  }
0x14: {  	[tilespmem:s3], [sflag:$0x7] =	stream.linear.gather [hbm4b:s5+s3], $0x6400, $0x38;
	[tilespmem:$0x1E400] =	vst v63  }
0x15: {  	s21 =	simm.s32 $0xFFFFFFFD;
	s22 =	smov.u32 s9;
	_ =	swait.ge [sflag:s10], $0x6400  }
0x16: {  	s23 =	smov.u32 s8;
	s24 =	smov.u32 s7;
	[sflag:s10] =	ssyncset.done $0x0  }
0x17: {  	s25 =	simm.s32 $0x0;
	s26 =	simm.s32 $0x0;
	[sflag:s10] =	ssyncadd.s32 $0xFFFF9C00  }
.LBB2_6:
0x18: {  	s1 =	sadd.s32 $0x200, s28  }
0x19: {  	[tilespmem:s16], [sflag:$0x3] =	stream.indirect.gather [hbm4b:s4+s11], $0x80, s1, s11, $0xb8;
	[tilespmem:$0x1E400] =	vst v63  }
0x1a: {  	s31 =	sadd.s32 $0x280, s28  }
0x1b: {  	[tilespmem:s17], [sflag:$0x3] =	stream.indirect.gather [hbm4b:s4+s11], $0x80, s31, s11, $0xb8;
	[tilespmem:$0x1E400] =	vst v63  }
0x1c: {  	_ =	swait.ge [sflag:s18], $0x4000  }
0x1d: {  	[sflag:s18] =	ssyncset.done $0x0  }
0x1e: {  	[sflag:s18] =	ssyncadd.s32 $0xFFFFC000  }
0x1f: {  	_ =	swait.ge [sflag:s18], $0x4000  }
0x20: {  	[sflag:s18] =	ssyncset.done $0x0  }
0x21: {  	[sflag:s18] =	ssyncadd.s32 $0xFFFFC000  }
0x22: {  	[hbm4b:s22+s3] =	stream.linear.scatter [tilespmem:s19], [sflag:$0x5], $0x8000, $0x38;
	[tilespmem:$0x1E400] =	vst v63  }
.LBB2_7:
0x23: {  	s25 =	sadd.s32 $0xC00, s25  }
0x24: {  	p0 =	sne.s32 s25, $0x1A400  }
.Ltmp3:
0x25: {  	_ = 	snop;
	(pc) =	sbr.rel @!p0 .LBB2_8-.Ltmp3, $3  }
0x26: {  	_ =	sdelay $0x1  }
0x27: {  	s26 =	sadd.s32 $0x1, s26;
	s24 =	sadd.s32 $0x18000, s24  }
0x28: {  	s23 =	sadd.s32 $0x3000, s23;
	s21 =	sadd.s32 $0x3, s21;
	s22 =	sadd.s32 $0x3000, s22  }
.LBB2_2:
0x29: {  	p1 =	seq.s32 s25, $0x19800  }
.Ltmp4:
0x2a: {  	p0 =	sgt.u32 s21, $0x63;
	(pc) =	sbr.rel @p1 .LBB2_8-.Ltmp4, $4  }
0x2b: {  	s28 =	simm.s32 @!p0 $0x4  }
0x2c: {  	_ =	swait.ge @!p0 [sflag:s28], $0x8000  }
0x2d: {  	[sflag:s28] =	ssyncset.done @!p0 $0x0  }
0x2e: {  	[sflag:s28] =	ssyncadd.s32 @!p0 $0xFFFF8000  }
0x2f: {  	s28 =	sshra.s32 s25, $0x2;
	s30 =	sadd.s32 $0x2, s21  }
0x30: {  	[tilespmem:s12], [sflag:$0x1] =	stream.indirect.gather [hbm4b:s4+s11], $0x80, s28, s11, $0xb8;
	[tilespmem:$0x1E400] =	vst v63  }
0x31: {  	s29 =	sadd.s32 $0x80, s28;
	p0 =	sgt.u32 s30, $0x63  }
0x32: {  	[tilespmem:s13], [sflag:$0x1] =	stream.indirect.gather [hbm4b:s4+s11], $0x80, s29, s11, $0xb8;
	[tilespmem:$0x1E400] =	vst v63  }
0x33: {  	s29 =	simm.s32 @!p0 $0x3  }
0x34: {  	_ =	swait.ge @!p0 [sflag:s29], $0x4000  }
0x35: {  	[sflag:s29] =	ssyncset.done @!p0 $0x0  }
0x36: {  	[sflag:s29] =	ssyncadd.s32 @!p0 $0xFFFFC000  }
0x37: {  	_ =	swait.ge @!p0 [sflag:s29], $0x4000  }
0x38: {  	[sflag:s29] =	ssyncset.done @!p0 $0x0  }
0x39: {  	[sflag:s29] =	ssyncadd.s32 @!p0 $0xFFFFC000;
	s29 =	sshrl.u32 @!p0 s24, $0x3  }
0x3a: {  	s30 =	simm.s32 @!p0 $0x0;
	s31 =	simm.s32 @!p0 $0x16400;
	s29 =	sadd.s32 @!p0 s2, s29  }
0x3b: {  	[hbm4b:s29+s30] =	stream.linear.scatter @!p0 [tilespmem:s31], [sflag:$0x6], $0x8000, $0x38;
	[tilespmem:$0x1E400] =	vst v63  }
0x3c: {  	s31 =	sadd.s32 $0x1, s21  }
0x3d: {  	p2 =	sgt.u32 s31, $0x63  }
0x3e: {  	s29 =	simm.s32 @!p2 $0x5  }
0x3f: {  	_ =	swait.ge @!p2 [sflag:s29], $0x8000  }
0x40: {  	p1 =	sgt.u32 s26, $0x20;
	[sflag:s29] =	ssyncset.done @!p2 $0x0  }
0x41: {  	[sflag:s29] =	ssyncadd.s32 @!p2 $0xFFFF8000;
	s29 =	sshra.s32 @!p1 s25, $0x2  }
0x42: {  	s1 =	simm.s32 @!p1 $0xE400;
	s31 =	simm.s32 @!p1 $0x80;
	s30 =	sadd.s32 @!p1 $0x100, s29  }
0x43: {  	[tilespmem:s1], [sflag:$0x2] =	stream.indirect.gather @!p1 [hbm4b:s4+s31], $0x80, s30, s31, $0xb8;
	[tilespmem:$0x1E400] =	vst v63  }
0x44: {  	s1 =	sadd.s32 @!p1 $0x180, s29;
	s29 =	simm.s32 @!p1 $0x12400  }
0x45: {  	[tilespmem:s29], [sflag:$0x2] =	stream.indirect.gather @!p1 [hbm4b:s4+s31], $0x80, s1, s31, $0xb8;
	[tilespmem:$0x1E400] =	vst v63  }
0x46: {  	_ =	swait.ge [sflag:s14], $0x4000  }
0x47: {  	[sflag:s14] =	ssyncset.done $0x0  }
.Ltmp5:
0x48: {  	[sflag:s14] =	ssyncadd.s32 $0xFFFFC000;
	(pc) =	sbr.rel @p0 .LBB2_5-.Ltmp5, $4  }
0x49: {  	_ =	swait.ge [sflag:s14], $0x4000  }
0x4a: {  	[sflag:s14] =	ssyncset.done $0x0  }
0x4b: {  	[sflag:s14] =	ssyncadd.s32 $0xFFFFC000  }
0x4c: {  	[hbm4b:s23+s3] =	stream.linear.scatter [tilespmem:s12], [sflag:$0x4], $0x8000, $0x38;
	[tilespmem:$0x1E400] =	vst v63  }
0x4d: {  	p0 =	slt.u32 s26, $0x21  }
.Ltmp6:
0x4e: {  	_ = 	snop;
	(pc) =	sbr.rel @p0 .LBB2_6-.Ltmp6, $4  }
.Ltmp7:
0x4f: {  	_ = 	snop;
	(pc) =	sbr.rel @!p0 .LBB2_7-.Ltmp7, $4  }
0x50: {  	_ =	swait.ge [sflag:s15], $0x8000  }
0x51: {  	[sflag:s15] =	ssyncset.done $0x0  }
0x52: {  	[sflag:s15] =	ssyncadd.s32 $0xFFFF8000  }
0x53: {  	_ = 	snop  }
.LBB2_5:
.Ltmp8:
0x54: {  	(pc) =	sbr.rel @p1 .LBB2_7-.Ltmp8, $4  }
.Ltmp9:
0x55: {  	(pc) =	sbr.rel @!p1 .LBB2_6-.Ltmp9, $4  }
0x56: {  	_ = 	snop  }
0x57: {  	_ = 	snop  }
0x58: {  	_ = 	snop  }
0x59: {  	_ = 	snop  }
.LBB2_9:
0x5a: {  	_ =	sfence.sel $0x180000  }
0x5b: {  	[bflag:$0x0] =	sbarrier.arrive $0xFFFF  }
0x5c: {  	_ =	strace $0x90000047  }
0x5d: {  	[bflag:$0x2] =	sbarrier.arrive $0xFFFF  }
0x5e: {  	p0 =	sne.s32 s0, $0x0;
	s0 =	rddreg [dreg:$0x2]  }
0x5f: {  	s0 =	sadd.s32 @!p0 $0x100000, s0  }
0x60: {  	[sflag:s0] =	ssyncadd.tile.s32 @!p0 $0x1;
	_ =	shalt  }
.Lfunc_end2:
_tile_overlayer_lowered:
.L_overlay_start_2:
0x61: {  	(tag) =	ssettag $0x2  }
0x62: {  	s0 =	rddreg [dreg:$0x0];
	s2 =	stileid.u32  }
0x63: {  	s1 =	rddreg [dreg:$0x1];
	p0 =	sne.s32 s2, $0x0  }
0x64: {  	s3 =	rddreg [dreg:$0x2];
	[bflag:$0x3] =	sbarrier.arrive $0xFFFF;
	s2 =	simm.s32 @!p0 $0x1C07  }
0x65: {  	[timem:s3], [sflag:s2] =	dma.local @!p0 [hbm:s0], s1  }
0x66: {  	s0 =	simm.s32 @!p0 $0x7  }
0x67: {  	_ =	swait.ge @!p0 [sflag:s0], s1  }
0x68: {  	s1 =	ssub.s32 @!p0 $0x0, s1;
	[sflag:s0] =	ssyncset.done @!p0 $0x0  }
0x69: {  	[sflag:s0] =	ssyncadd.s32 @!p0 s1  }
0x6a: {  	[bflag:$0x3] =	sbarrier.arrive $0xFFFF  }
0x6b: {  	_ =	shalt  }

</sc_bundles>
